<compile_context>
chip_gen: v7x
topology: tpu7x:2x2x1
jax: 0.10.2.dev20260603
libtpu: 0.0.44.dev20260713+nightly
codegen_flags: <defaults>
</compile_context>

<pallas_src>
import dataclasses
import functools

import jax
import jax.numpy as jnp
from jax import lax
from jax.experimental import pallas as pl
from jax.experimental.pallas import tpu as pltpu
from jax.experimental.pallas import tpu_sc as plsc

_K = 8192
_D = 256
_N = 32 * 1024
_CC = 0.25

_RB = 1024
_KB = 2048

_NW = 32
_CHUNK = _N // _NW
_GC = 256


def _argmin_body(x_ref, e_ref, idx_ref, minv_ref, rowsq_s, hesq_s, argf_s,
                 cmax_s):
    r = pl.program_id(0)
    kb = pl.program_id(1)
    nk = pl.num_programs(1)
    x = x_ref[...]

    @pl.when(kb == 0)
    def _():
        rowsq_s[...] = jnp.sum(x * x, axis=1, keepdims=True)

    @pl.when(r == 0)
    def _():
        e = e_ref[...]
        hesq_s[0:1, pl.ds(kb * _KB, _KB)] = (0.5 * jnp.sum(e * e, axis=1))[None, :]
        hesq_s[1:2, pl.ds(kb * _KB, _KB)] = (
            lax.broadcasted_iota(jnp.int32, (1, _KB), 1).astype(jnp.float32)
            + (kb * _KB))

    xe = lax.dot_general(x, e_ref[...], (((1,), (1,)), ((), ())),
                         preferred_element_type=jnp.float32)
    c = xe - hesq_s[0:1, pl.ds(kb * _KB, _KB)]
    lmax = jnp.max(c, axis=1, keepdims=True)
    ids = hesq_s[1:2, pl.ds(kb * _KB, _KB)]
    larg = jnp.min(jnp.where(c == lmax, ids, float(_K)), axis=1,
                   keepdims=True)

    @pl.when(kb == 0)
    def _():
        cmax_s[...] = lmax
        argf_s[...] = larg

    @pl.when(kb > 0)
    def _():
        upd = lmax > cmax_s[...]
        cmax_s[...] = jnp.where(upd, lmax, cmax_s[...])
        argf_s[...] = jnp.where(upd, larg, argf_s[...])

    @pl.when(kb == nk - 1)
    def _():
        minv = rowsq_s[...] - 2.0 * cmax_s[...]
        minv_ref[...] = jnp.transpose(minv)[None]
        idx_ref[...] = jnp.transpose(
            argf_s[...].astype(jnp.int32))[None]


@functools.lru_cache(maxsize=None)
def _get_sc_gather_hist():
    mesh = plsc.VectorSubcoreMesh(core_axis_name="c", subcore_axis_name="s")
    cp = pltpu.CompilerParams()
    if "needs_layout_passes" in pltpu.CompilerParams.__dataclass_fields__:
        cp = dataclasses.replace(cp, needs_layout_passes=False)

    @functools.partial(
        pl.kernel,
        compiler_params=cp,
        out_type=[jax.ShapeDtypeStruct((_N, _D), jnp.float32),
                  jax.ShapeDtypeStruct((_NW, _K), jnp.int32)],
        mesh=mesh,
        scratch_types=[pltpu.VMEM((_CHUNK,), jnp.int32),
                       pltpu.VMEM((_GC, _D), jnp.float32),
                       pltpu.VMEM((_K,), jnp.int32),
                       pltpu.SemaphoreType.DMA],
    )
    def _sc_gather_hist(idx_hbm, emb_hbm, q_hbm, hist_hbm,
                        idx_v, rows_v, hist_v, sem):
        wid = lax.axis_index("s") * 2 + lax.axis_index("c")
        base = wid * _CHUNK
        pltpu.sync_copy(idx_hbm.at[pl.ds(base, _CHUNK)], idx_v)

        @pl.loop(0, _K, step=16)
        def _(j):
            hist_v[pl.ds(j, 16)] = jnp.zeros((16,), jnp.int32)

        for g in range(_CHUNK // _GC):
            pltpu.async_copy(emb_hbm.at[idx_v.at[pl.ds(g * _GC, _GC)]],
                             rows_v, sem).wait()
            pltpu.sync_copy(rows_v, q_hbm.at[pl.ds(base + g * _GC, _GC)])

        @pl.loop(0, _CHUNK, step=16)
        def _(j):
            v = idx_v[pl.ds(j, 16)]
            plsc.addupdate_scatter(hist_v, [v], jnp.ones((16,), jnp.int32))

        pltpu.sync_copy(hist_v, hist_hbm.at[wid])

    return _sc_gather_hist


def _stats_body(minv_ref, hist_ref, loss_ref, perp_ref):
    loss = _CC * (jnp.sum(minv_ref[...]) / float(_N * _D))
    loss_ref[...] = jnp.reshape(loss, (1, 1))
    counts = jnp.sum(hist_ref[...].astype(jnp.float32), axis=0)
    probs = counts / (jnp.sum(counts) + 1e-10)
    ent = jnp.sum(probs * jnp.log(probs + 1e-10))
    perp_ref[...] = jnp.reshape(jnp.exp(-ent), (1, 1))


def kernel(inputs, embedding):
    flat = inputs.reshape(-1, _D)
    idx2, minv2 = pl.pallas_call(
        _argmin_body,
        grid=(_N // _RB, _K // _KB),
        in_specs=[pl.BlockSpec((_RB, _D), lambda r, k: (r, 0)),
                  pl.BlockSpec((_KB, _D), lambda r, k: (k, 0))],
        out_specs=[pl.BlockSpec((1, 1, _RB), lambda r, k: (r, 0, 0)),
                   pl.BlockSpec((1, 1, _RB), lambda r, k: (r, 0, 0))],
        out_shape=[jax.ShapeDtypeStruct((_N // _RB, 1, _RB), jnp.int32),
                   jax.ShapeDtypeStruct((_N // _RB, 1, _RB), jnp.float32)],
        scratch_shapes=[pltpu.VMEM((_RB, 1), jnp.float32),
                        pltpu.VMEM((2, _K), jnp.float32),
                        pltpu.VMEM((_RB, 1), jnp.float32),
                        pltpu.VMEM((_RB, 1), jnp.float32)],
    )(flat, embedding)
    indices_flat = idx2.reshape(_N)

    quantized_flat, hist = _get_sc_gather_hist()(indices_flat, embedding)

    loss2, perp2 = pl.pallas_call(
        _stats_body,
        in_specs=[pl.BlockSpec((_N // _RB, 1, _RB), lambda: (0, 0, 0)),
                  pl.BlockSpec((_NW, _K), lambda: (0, 0))],
        out_specs=[pl.BlockSpec((1, 1), lambda: (0, 0)),
                   pl.BlockSpec((1, 1), lambda: (0, 0))],
        out_shape=[jax.ShapeDtypeStruct((1, 1), jnp.float32),
                   jax.ShapeDtypeStruct((1, 1), jnp.float32)],
    )(minv2, hist)

    quantized_st = quantized_flat.reshape(inputs.shape)
    indices = indices_flat.reshape(inputs.shape[0], inputs.shape[1])
    return (quantized_st, loss2[0, 0], indices, perp2[0, 0])

# --- scband reference (transcript-rebuilt; emitter-appended) ---
"""Pipeline reference for scband-vector-quantizer-25520695673025 (READ-ONLY COPY).

The authoritative reference and input builder live on the scoring server;
editing this copy changes nothing except your own understanding.
"""

import jax, jax.numpy as jnp
import numpy as np

NUM_EMBEDDINGS = 8192
EMBEDDING_DIM = 256
COMMITMENT_COST = 0.25


def setup_inputs(seed: int = 0) -> dict:
    key = jax.random.key(seed)
    k1, k2 = jax.random.split(key)
    inputs = jax.random.normal(k1, (32, 1024, EMBEDDING_DIM), dtype=jnp.float32)
    embedding = jax.random.normal(k2, (NUM_EMBEDDINGS, EMBEDDING_DIM), dtype=jnp.float32)
    return {"inputs": inputs, "embedding": embedding}


def reference(inputs, embedding):
    # EMAQuantizer forward: nearest-neighbor lookup in codebook
    flat = inputs.reshape(-1, embedding.shape[1])  # [B*HW, d]
    # squared L2 distances: |x|^2 - 2 x.E^T + |e|^2  -> dense matmul, compute-heavy
    distances = (
        jnp.sum(flat * flat, axis=1, keepdims=True)
        - 2.0 * (flat @ embedding.T)
        + jnp.sum(embedding * embedding, axis=1)[None, :]
    )
    indices_flat = jnp.argmin(distances, axis=1)  # [B*HW]
    quantized = jnp.take(embedding, indices_flat, axis=0).reshape(inputs.shape)
    # commitment loss (EMA variant: codebook updated via EMA, not via this loss)
    loss = COMMITMENT_COST * jnp.mean(
        (jax.lax.stop_gradient(quantized) - inputs) ** 2
    )
    # straight-through estimator
    quantized_st = inputs + jax.lax.stop_gradient(quantized - inputs)
    indices = indices_flat.reshape(inputs.shape[0], inputs.shape[1])
    # VectorQuantizer wrapper: perplexity stats
    counts = jnp.bincount(indices_flat, length=NUM_EMBEDDINGS).astype(jnp.float32)
    probs = counts / (counts.sum() + 1e-10)
    perplexity = jnp.exp(-jnp.sum(probs * jnp.log(probs + 1e-10)))
    return (quantized_st, loss, indices, perplexity)

if __name__ == "__main__":
    import jax
    _d = setup_inputs()
    print(jax.jit(kernel)(*tuple(_d.values())))

</pallas_src>

<mosaic_0001>
#map = affine_map<(d0, d1) -> (0)>
#map1 = affine_map<(d0, d1) -> (0, 0)>
module attributes {stable_mosaic.version = 14 : i64} {
  func.func @_sc_gather_hist(%arg0: i32, %arg1: i32, %arg2: memref<32768xi32, #tpu.memory_space<hbm>>, %arg3: memref<8192x256xf32, #tpu.memory_space<hbm>>, %arg4: memref<32768x256xf32, #tpu.memory_space<hbm>>, %arg5: memref<32x8192xi32, #tpu.memory_space<hbm>>, %arg6: memref<1024xi32, #tpu.memory_space<vmem>>, %arg7: memref<256x256xf32, #tpu.memory_space<vmem>>, %arg8: memref<8192xi32, #tpu.memory_space<vmem>>, %arg9: memref<!tpu.dma_semaphore, #tpu.memory_space<semaphore_mem>>) attributes {dimension_semantics = [#tpu.dimension_semantics<core_parallel>, #tpu.dimension_semantics<subcore_parallel>], iteration_bounds = array<i64: 2, 16>, scalar_prefetch = 0 : i64, scratch_operands = 4 : i64, tpu.core_type = #tpu.core_type<sc_vector_subcore>, window_params = [{transform_indices = #map}, {transform_indices = #map1}, {transform_indices = #map1}, {transform_indices = #map1}]} {
    %mul3A = arith.constant 2 : i32
    %mul3A_0 = arith.muli %arg1, %mul3A : i32
    %add3A = arith.addi %mul3A_0, %arg0 : i32
    %mul3A_1 = arith.constant 1024 : i32
    %mul3A_2 = arith.muli %add3A, %mul3A_1 : i32
    "tpu.region"() ({
      %run_scoped3A = tpu.sem_alloc : memref<!tpu.dma_semaphore, #tpu.memory_space<semaphore_mem>>
      %dma_start3A_58 = tpu.memref_slice %arg2[%mul3A_2] : memref<32768xi32, #tpu.memory_space<hbm>> -> memref<1024xi32, #tpu.memory_space<hbm>>
      %dma_start3A_59 = tpu.memref_slice %arg2[%mul3A_2] : memref<32768xi32, #tpu.memory_space<hbm>> -> memref<1024xi32, #tpu.memory_space<hbm>>
      tpu.enqueue_dma source(%dma_start3A_59 : memref<1024xi32, #tpu.memory_space<hbm>>) target(%arg6 : memref<1024xi32, #tpu.memory_space<vmem>>) target_semaphore(%run_scoped3A : memref<!tpu.dma_semaphore, #tpu.memory_space<semaphore_mem>>)
      %dma_wait3A_60 = tpu.memref_slice %arg2[%mul3A_2] : memref<32768xi32, #tpu.memory_space<hbm>> -> memref<1024xi32, #tpu.memory_space<hbm>>
      %dma_wait3A_61 = tpu.memref_slice %arg2[%mul3A_2] : memref<32768xi32, #tpu.memory_space<hbm>> -> memref<1024xi32, #tpu.memory_space<hbm>>
      tpu.wait_dma2 semaphore(%run_scoped3A : memref<!tpu.dma_semaphore, #tpu.memory_space<semaphore_mem>>) src(%dma_wait3A_61 : memref<1024xi32, #tpu.memory_space<hbm>>) dst(%arg6 : memref<1024xi32, #tpu.memory_space<vmem>>)
      tpu.yield
    }) : () -> ()
    %scan3A = arith.constant 0 : i32
    %scan3A_3 = arith.constant 512 : i32
    %scan3A_4 = arith.addi %scan3A, %scan3A_3 : i32
    %scan3A_5 = arith.constant 1 : i32
    scf.for %scan3A_58 = %scan3A to %scan3A_4 step %scan3A_5  : i32 {
      %mul3A_59 = arith.constant 16 : i32
      %mul3A_60 = arith.muli %scan3A_58, %mul3A_59 : i32
      %add3A_61 = arith.constant 0 : i32
      %add3A_62 = arith.addi %add3A_61, %mul3A_60 : i32
      %broadcast_in_dim3A = arith.constant 0 : i32
      %broadcast_in_dim3A_63 = vector.broadcast %broadcast_in_dim3A : i32 to vector<16xi32>
      %swap3A = arith.index_cast %add3A_62 : i32 to index
      %swap3A_64 = tpu.vector_load %arg8[%swap3A] {strides = array<i32>} : memref<8192xi32, #tpu.memory_space<vmem>>, vector<16xi32>,
      tpu.vector_store %arg8[%swap3A], %broadcast_in_dim3A_63 {strides = array<i32>} : memref<8192xi32, #tpu.memory_space<vmem>>, vector<16xi32>,
    }
    %scan3A_6 = arith.constant 512 : i32
    %dma_start3A = arith.constant 0 : i32
    %dma_start3A_7 = tpu.memref_slice %arg6[%dma_start3A] : memref<1024xi32, #tpu.memory_space<vmem>> -> memref<256xi32, #tpu.memory_space<vmem>>
    %dma_start3A_8 = arith.constant 0 : i32
    %dma_start3A_9 = arith.constant 0 : i32
    %dma_start3A_10 = tpu.memref_slice %arg3[%dma_start3A_8, %dma_start3A_9] : memref<8192x256xf32, #tpu.memory_space<hbm>> -> memref<8192x256xf32, #tpu.memory_space<hbm>>
    tpu.enqueue_indirect_dma source(%dma_start3A_10 : memref<8192x256xf32, #tpu.memory_space<hbm>>) target(%arg7 : memref<256x256xf32, #tpu.memory_space<vmem>>) offsets(%dma_start3A_7 : memref<256xi32, #tpu.memory_space<vmem>>) semaphore(%arg9 : memref<!tpu.dma_semaphore, #tpu.memory_space<semaphore_mem>>)
    %dma_wait3A = arith.constant 0 : i32
    %dma_wait3A_11 = tpu.memref_slice %arg6[%dma_wait3A] : memref<1024xi32, #tpu.memory_space<vmem>> -> memref<256xi32, #tpu.memory_space<vmem>>
    %dma_wait3A_12 = arith.constant 0 : i32
    %dma_wait3A_13 = arith.constant 0 : i32
    %dma_wait3A_14 = tpu.memref_slice %arg3[%dma_wait3A_12, %dma_wait3A_13] : memref<8192x256xf32, #tpu.memory_space<hbm>> -> memref<8192x256xf32, #tpu.memory_space<hbm>>
    tpu.wait_indirect_dma semaphore(%arg9 : memref<!tpu.dma_semaphore, #tpu.memory_space<semaphore_mem>>) src(%dma_wait3A_14 : memref<8192x256xf32, #tpu.memory_space<hbm>>) dst(%arg7 : memref<256x256xf32, #tpu.memory_space<vmem>>)
    %add3A_15 = arith.constant 0 : i32
    %add3A_16 = arith.addi %mul3A_2, %add3A_15 : i32
    "tpu.region"() ({
      %run_scoped3A = tpu.sem_alloc : memref<!tpu.dma_semaphore, #tpu.memory_space<semaphore_mem>>
      %dma_start3A_58 = arith.constant 0 : i32
      %dma_start3A_59 = tpu.memref_slice %arg4[%add3A_16, %dma_start3A_58] : memref<32768x256xf32, #tpu.memory_space<hbm>> -> memref<256x256xf32, #tpu.memory_space<hbm>>
      %dma_start3A_60 = arith.constant 0 : i32
      %dma_start3A_61 = tpu.memref_slice %arg4[%add3A_16, %dma_start3A_60] : memref<32768x256xf32, #tpu.memory_space<hbm>> -> memref<256x256xf32, #tpu.memory_space<hbm>>
      tpu.enqueue_dma source(%arg7 : memref<256x256xf32, #tpu.memory_space<vmem>>) target(%dma_start3A_61 : memref<256x256xf32, #tpu.memory_space<hbm>>) target_semaphore(%run_scoped3A : memref<!tpu.dma_semaphore, #tpu.memory_space<semaphore_mem>>)
      %dma_wait3A_62 = arith.constant 0 : i32
      %dma_wait3A_63 = tpu.memref_slice %arg4[%add3A_16, %dma_wait3A_62] : memref<32768x256xf32, #tpu.memory_space<hbm>> -> memref<256x256xf32, #tpu.memory_space<hbm>>
      %dma_wait3A_64 = arith.constant 0 : i32
      %dma_wait3A_65 = tpu.memref_slice %arg4[%add3A_16, %dma_wait3A_64] : memref<32768x256xf32, #tpu.memory_space<hbm>> -> memref<256x256xf32, #tpu.memory_space<hbm>>
      tpu.wait_dma2 semaphore(%run_scoped3A : memref<!tpu.dma_semaphore, #tpu.memory_space<semaphore_mem>>) src(%arg7 : memref<256x256xf32, #tpu.memory_space<vmem>>) dst(%dma_wait3A_65 : memref<256x256xf32, #tpu.memory_space<hbm>>)
      tpu.yield
    }) : () -> ()
    %dma_start3A_17 = arith.constant 256 : i32
    %dma_start3A_18 = tpu.memref_slice %arg6[%dma_start3A_17] : memref<1024xi32, #tpu.memory_space<vmem>> -> memref<256xi32, #tpu.memory_space<vmem>>
    %dma_start3A_19 = arith.constant 0 : i32
    %dma_start3A_20 = arith.constant 0 : i32
    %dma_start3A_21 = tpu.memref_slice %arg3[%dma_start3A_19, %dma_start3A_20] : memref<8192x256xf32, #tpu.memory_space<hbm>> -> memref<8192x256xf32, #tpu.memory_space<hbm>>
    tpu.enqueue_indirect_dma source(%dma_start3A_21 : memref<8192x256xf32, #tpu.memory_space<hbm>>) target(%arg7 : memref<256x256xf32, #tpu.memory_space<vmem>>) offsets(%dma_start3A_18 : memref<256xi32, #tpu.memory_space<vmem>>) semaphore(%arg9 : memref<!tpu.dma_semaphore, #tpu.memory_space<semaphore_mem>>)
    %dma_wait3A_22 = arith.constant 256 : i32
    %dma_wait3A_23 = tpu.memref_slice %arg6[%dma_wait3A_22] : memref<1024xi32, #tpu.memory_space<vmem>> -> memref<256xi32, #tpu.memory_space<vmem>>
    %dma_wait3A_24 = arith.constant 0 : i32
    %dma_wait3A_25 = arith.constant 0 : i32
    %dma_wait3A_26 = tpu.memref_slice %arg3[%dma_wait3A_24, %dma_wait3A_25] : memref<8192x256xf32, #tpu.memory_space<hbm>> -> memref<8192x256xf32, #tpu.memory_space<hbm>>
    tpu.wait_indirect_dma semaphore(%arg9 : memref<!tpu.dma_semaphore, #tpu.memory_space<semaphore_mem>>) src(%dma_wait3A_26 : memref<8192x256xf32, #tpu.memory_space<hbm>>) dst(%arg7 : memref<256x256xf32, #tpu.memory_space<vmem>>)
    %add3A_27 = arith.constant 256 : i32
    %add3A_28 = arith.addi %mul3A_2, %add3A_27 : i32
    "tpu.region"() ({
      %run_scoped3A = tpu.sem_alloc : memref<!tpu.dma_semaphore, #tpu.memory_space<semaphore_mem>>
      %dma_start3A_58 = arith.constant 0 : i32
      %dma_start3A_59 = tpu.memref_slice %arg4[%add3A_28, %dma_start3A_58] : memref<32768x256xf32, #tpu.memory_space<hbm>> -> memref<256x256xf32, #tpu.memory_space<hbm>>
      %dma_start3A_60 = arith.constant 0 : i32
      %dma_start3A_61 = tpu.memref_slice %arg4[%add3A_28, %dma_start3A_60] : memref<32768x256xf32, #tpu.memory_space<hbm>> -> memref<256x256xf32, #tpu.memory_space<hbm>>
      tpu.enqueue_dma source(%arg7 : memref<256x256xf32, #tpu.memory_space<vmem>>) target(%dma_start3A_61 : memref<256x256xf32, #tpu.memory_space<hbm>>) target_semaphore(%run_scoped3A : memref<!tpu.dma_semaphore, #tpu.memory_space<semaphore_mem>>)
      %dma_wait3A_62 = arith.constant 0 : i32
      %dma_wait3A_63 = tpu.memref_slice %arg4[%add3A_28, %dma_wait3A_62] : memref<32768x256xf32, #tpu.memory_space<hbm>> -> memref<256x256xf32, #tpu.memory_space<hbm>>
      %dma_wait3A_64 = arith.constant 0 : i32
      %dma_wait3A_65 = tpu.memref_slice %arg4[%add3A_28, %dma_wait3A_64] : memref<32768x256xf32, #tpu.memory_space<hbm>> -> memref<256x256xf32, #tpu.memory_space<hbm>>
      tpu.wait_dma2 semaphore(%run_scoped3A : memref<!tpu.dma_semaphore, #tpu.memory_space<semaphore_mem>>) src(%arg7 : memref<256x256xf32, #tpu.memory_space<vmem>>) dst(%dma_wait3A_65 : memref<256x256xf32, #tpu.memory_space<hbm>>)
      tpu.yield
    }) : () -> ()
    %dma_start3A_29 = arith.constant 512 : i32
    %dma_start3A_30 = tpu.memref_slice %arg6[%dma_start3A_29] : memref<1024xi32, #tpu.memory_space<vmem>> -> memref<256xi32, #tpu.memory_space<vmem>>
    %dma_start3A_31 = arith.constant 0 : i32
    %dma_start3A_32 = arith.constant 0 : i32
    %dma_start3A_33 = tpu.memref_slice %arg3[%dma_start3A_31, %dma_start3A_32] : memref<8192x256xf32, #tpu.memory_space<hbm>> -> memref<8192x256xf32, #tpu.memory_space<hbm>>
    tpu.enqueue_indirect_dma source(%dma_start3A_33 : memref<8192x256xf32, #tpu.memory_space<hbm>>) target(%arg7 : memref<256x256xf32, #tpu.memory_space<vmem>>) offsets(%dma_start3A_30 : memref<256xi32, #tpu.memory_space<vmem>>) semaphore(%arg9 : memref<!tpu.dma_semaphore, #tpu.memory_space<semaphore_mem>>)
    %dma_wait3A_34 = arith.constant 512 : i32
    %dma_wait3A_35 = tpu.memref_slice %arg6[%dma_wait3A_34] : memref<1024xi32, #tpu.memory_space<vmem>> -> memref<256xi32, #tpu.memory_space<vmem>>
    %dma_wait3A_36 = arith.constant 0 : i32
    %dma_wait3A_37 = arith.constant 0 : i32
    %dma_wait3A_38 = tpu.memref_slice %arg3[%dma_wait3A_36, %dma_wait3A_37] : memref<8192x256xf32, #tpu.memory_space<hbm>> -> memref<8192x256xf32, #tpu.memory_space<hbm>>
    tpu.wait_indirect_dma semaphore(%arg9 : memref<!tpu.dma_semaphore, #tpu.memory_space<semaphore_mem>>) src(%dma_wait3A_38 : memref<8192x256xf32, #tpu.memory_space<hbm>>) dst(%arg7 : memref<256x256xf32, #tpu.memory_space<vmem>>)
    %add3A_39 = arith.constant 512 : i32
    %add3A_40 = arith.addi %mul3A_2, %add3A_39 : i32
    "tpu.region"() ({
      %run_scoped3A = tpu.sem_alloc : memref<!tpu.dma_semaphore, #tpu.memory_space<semaphore_mem>>
      %dma_start3A_58 = arith.constant 0 : i32
      %dma_start3A_59 = tpu.memref_slice %arg4[%add3A_40, %dma_start3A_58] : memref<32768x256xf32, #tpu.memory_space<hbm>> -> memref<256x256xf32, #tpu.memory_space<hbm>>
      %dma_start3A_60 = arith.constant 0 : i32
      %dma_start3A_61 = tpu.memref_slice %arg4[%add3A_40, %dma_start3A_60] : memref<32768x256xf32, #tpu.memory_space<hbm>> -> memref<256x256xf32, #tpu.memory_space<hbm>>
      tpu.enqueue_dma source(%arg7 : memref<256x256xf32, #tpu.memory_space<vmem>>) target(%dma_start3A_61 : memref<256x256xf32, #tpu.memory_space<hbm>>) target_semaphore(%run_scoped3A : memref<!tpu.dma_semaphore, #tpu.memory_space<semaphore_mem>>)
      %dma_wait3A_62 = arith.constant 0 : i32
      %dma_wait3A_63 = tpu.memref_slice %arg4[%add3A_40, %dma_wait3A_62] : memref<32768x256xf32, #tpu.memory_space<hbm>> -> memref<256x256xf32, #tpu.memory_space<hbm>>
      %dma_wait3A_64 = arith.constant 0 : i32
      %dma_wait3A_65 = tpu.memref_slice %arg4[%add3A_40, %dma_wait3A_64] : memref<32768x256xf32, #tpu.memory_space<hbm>> -> memref<256x256xf32, #tpu.memory_space<hbm>>
      tpu.wait_dma2 semaphore(%run_scoped3A : memref<!tpu.dma_semaphore, #tpu.memory_space<semaphore_mem>>) src(%arg7 : memref<256x256xf32, #tpu.memory_space<vmem>>) dst(%dma_wait3A_65 : memref<256x256xf32, #tpu.memory_space<hbm>>)
      tpu.yield
    }) : () -> ()
    %dma_start3A_41 = arith.constant 768 : i32
    %dma_start3A_42 = tpu.memref_slice %arg6[%dma_start3A_41] : memref<1024xi32, #tpu.memory_space<vmem>> -> memref<256xi32, #tpu.memory_space<vmem>>
    %dma_start3A_43 = arith.constant 0 : i32
    %dma_start3A_44 = arith.constant 0 : i32
    %dma_start3A_45 = tpu.memref_slice %arg3[%dma_start3A_43, %dma_start3A_44] : memref<8192x256xf32, #tpu.memory_space<hbm>> -> memref<8192x256xf32, #tpu.memory_space<hbm>>
    tpu.enqueue_indirect_dma source(%dma_start3A_45 : memref<8192x256xf32, #tpu.memory_space<hbm>>) target(%arg7 : memref<256x256xf32, #tpu.memory_space<vmem>>) offsets(%dma_start3A_42 : memref<256xi32, #tpu.memory_space<vmem>>) semaphore(%arg9 : memref<!tpu.dma_semaphore, #tpu.memory_space<semaphore_mem>>)
    %dma_wait3A_46 = arith.constant 768 : i32
    %dma_wait3A_47 = tpu.memref_slice %arg6[%dma_wait3A_46] : memref<1024xi32, #tpu.memory_space<vmem>> -> memref<256xi32, #tpu.memory_space<vmem>>
    %dma_wait3A_48 = arith.constant 0 : i32
    %dma_wait3A_49 = arith.constant 0 : i32
    %dma_wait3A_50 = tpu.memref_slice %arg3[%dma_wait3A_48, %dma_wait3A_49] : memref<8192x256xf32, #tpu.memory_space<hbm>> -> memref<8192x256xf32, #tpu.memory_space<hbm>>
    tpu.wait_indirect_dma semaphore(%arg9 : memref<!tpu.dma_semaphore, #tpu.memory_space<semaphore_mem>>) src(%dma_wait3A_50 : memref<8192x256xf32, #tpu.memory_space<hbm>>) dst(%arg7 : memref<256x256xf32, #tpu.memory_space<vmem>>)
    %add3A_51 = arith.constant 768 : i32
    %add3A_52 = arith.addi %mul3A_2, %add3A_51 : i32
    "tpu.region"() ({
      %run_scoped3A = tpu.sem_alloc : memref<!tpu.dma_semaphore, #tpu.memory_space<semaphore_mem>>
      %dma_start3A_58 = arith.constant 0 : i32
      %dma_start3A_59 = tpu.memref_slice %arg4[%add3A_52, %dma_start3A_58] : memref<32768x256xf32, #tpu.memory_space<hbm>> -> memref<256x256xf32, #tpu.memory_space<hbm>>
      %dma_start3A_60 = arith.constant 0 : i32
      %dma_start3A_61 = tpu.memref_slice %arg4[%add3A_52, %dma_start3A_60] : memref<32768x256xf32, #tpu.memory_space<hbm>> -> memref<256x256xf32, #tpu.memory_space<hbm>>
      tpu.enqueue_dma source(%arg7 : memref<256x256xf32, #tpu.memory_space<vmem>>) target(%dma_start3A_61 : memref<256x256xf32, #tpu.memory_space<hbm>>) target_semaphore(%run_scoped3A : memref<!tpu.dma_semaphore, #tpu.memory_space<semaphore_mem>>)
      %dma_wait3A_62 = arith.constant 0 : i32
      %dma_wait3A_63 = tpu.memref_slice %arg4[%add3A_52, %dma_wait3A_62] : memref<32768x256xf32, #tpu.memory_space<hbm>> -> memref<256x256xf32, #tpu.memory_space<hbm>>
      %dma_wait3A_64 = arith.constant 0 : i32
      %dma_wait3A_65 = tpu.memref_slice %arg4[%add3A_52, %dma_wait3A_64] : memref<32768x256xf32, #tpu.memory_space<hbm>> -> memref<256x256xf32, #tpu.memory_space<hbm>>
      tpu.wait_dma2 semaphore(%run_scoped3A : memref<!tpu.dma_semaphore, #tpu.memory_space<semaphore_mem>>) src(%arg7 : memref<256x256xf32, #tpu.memory_space<vmem>>) dst(%dma_wait3A_65 : memref<256x256xf32, #tpu.memory_space<hbm>>)
      tpu.yield
    }) : () -> ()
    %scan3A_53 = arith.constant 0 : i32
    %scan3A_54 = arith.constant 64 : i32
    %scan3A_55 = arith.addi %scan3A_53, %scan3A_54 : i32
    %scan3A_56 = arith.constant 1 : i32
    scf.for %scan3A_58 = %scan3A_53 to %scan3A_55 step %scan3A_56  : i32 {
      %mul3A_59 = arith.constant 16 : i32
      %mul3A_60 = arith.muli %scan3A_58, %mul3A_59 : i32
      %add3A_61 = arith.constant 0 : i32
      %add3A_62 = arith.addi %add3A_61, %mul3A_60 : i32
      %get3A = arith.index_cast %add3A_62 : i32 to index
      %get3A_63 = tpu.vector_load %arg6[%get3A] {strides = array<i32>} : memref<1024xi32, #tpu.memory_space<vmem>>, vector<16xi32>,
      %broadcast_in_dim3A = arith.constant 1 : i32
      %broadcast_in_dim3A_64 = vector.broadcast %broadcast_in_dim3A : i32 to vector<16xi32>
      tpu.vector_store_idx %arg8[%get3A_63], %broadcast_in_dim3A_64 {add = true} : memref<8192xi32, #tpu.memory_space<vmem>>[vector<16xi32>], vector<16xi32>,
    }
    %scan3A_57 = arith.constant 64 : i32
    "tpu.region"() ({
      %run_scoped3A = tpu.sem_alloc : memref<!tpu.dma_semaphore, #tpu.memory_space<semaphore_mem>>
      %dma_start3A_58 = arith.constant 0 : i32
      %dma_start3A_59 = tpu.memref_slice %arg5[%add3A, %dma_start3A_58] : memref<32x8192xi32, #tpu.memory_space<hbm>> -> memref<1x8192xi32, #tpu.memory_space<hbm>>
      %dma_start3A_60 = tpu.memref_squeeze %dma_start3A_59 : memref<1x8192xi32, #tpu.memory_space<hbm>> -> memref<8192xi32, #tpu.memory_space<hbm>>
      %dma_start3A_61 = arith.constant 0 : i32
      %dma_start3A_62 = tpu.memref_slice %arg5[%add3A, %dma_start3A_61] : memref<32x8192xi32, #tpu.memory_space<hbm>> -> memref<1x8192xi32, #tpu.memory_space<hbm>>
      %dma_start3A_63 = tpu.memref_squeeze %dma_start3A_62 : memref<1x8192xi32, #tpu.memory_space<hbm>> -> memref<8192xi32, #tpu.memory_space<hbm>>
      tpu.enqueue_dma source(%arg8 : memref<8192xi32, #tpu.memory_space<vmem>>) target(%dma_start3A_63 : memref<8192xi32, #tpu.memory_space<hbm>>) target_semaphore(%run_scoped3A : memref<!tpu.dma_semaphore, #tpu.memory_space<semaphore_mem>>)
      %dma_wait3A_64 = arith.constant 0 : i32
      %dma_wait3A_65 = tpu.memref_slice %arg5[%add3A, %dma_wait3A_64] : memref<32x8192xi32, #tpu.memory_space<hbm>> -> memref<1x8192xi32, #tpu.memory_space<hbm>>
      %dma_wait3A_66 = tpu.memref_squeeze %dma_wait3A_65 : memref<1x8192xi32, #tpu.memory_space<hbm>> -> memref<8192xi32, #tpu.memory_space<hbm>>
      %dma_wait3A_67 = arith.constant 0 : i32
      %dma_wait3A_68 = tpu.memref_slice %arg5[%add3A, %dma_wait3A_67] : memref<32x8192xi32, #tpu.memory_space<hbm>> -> memref<1x8192xi32, #tpu.memory_space<hbm>>
      %dma_wait3A_69 = tpu.memref_squeeze %dma_wait3A_68 : memref<1x8192xi32, #tpu.memory_space<hbm>> -> memref<8192xi32, #tpu.memory_space<hbm>>
      tpu.wait_dma2 semaphore(%run_scoped3A : memref<!tpu.dma_semaphore, #tpu.memory_space<semaphore_mem>>) src(%arg8 : memref<8192xi32, #tpu.memory_space<vmem>>) dst(%dma_wait3A_69 : memref<8192xi32, #tpu.memory_space<hbm>>)
      tpu.yield
    }) : () -> ()
    return
  }
}

module attributes {stable_mosaic.version = 14 : i64} {
  func.func @_stats_body(%arg0: memref<32x1x1024xf32, #tpu.memory_space<vmem>>, %arg1: memref<32x8192xi32, #tpu.memory_space<vmem>>, %arg2: memref<1x1xf32, #tpu.memory_space<vmem>>, %arg3: memref<1x1xf32, #tpu.memory_space<vmem>>) attributes {dimension_semantics = [], scalar_prefetch = 0 : i64, scratch_operands = 0 : i64, tpu.core_type = #tpu.core_type<tc>} {
    %get3A = arith.constant 0 : index
    %get3A_0 = arith.constant 0 : index
    %get3A_1 = arith.constant 0 : index
    %get3A_2 = vector.load %arg0[%get3A, %get3A_0, %get3A_1] : memref<32x1x1024xf32, #tpu.memory_space<vmem>>, vector<32x1x1024xf32>
    %reduce_sum3A = vector.shape_cast %get3A_2 : vector<32x1x1024xf32> to vector<1x32x1x1024xf32>
    %reduce_sum3A_3 = arith.constant dense<0.000000e+00> : vector<1xf32>
    %reduce_sum3A_4 = vector.multi_reduction <add>, %reduce_sum3A, %reduce_sum3A_3 [1, 2, 3] : vector<1x32x1x1024xf32> to vector<1xf32>
    %reduce_sum3A_5 = vector.shape_cast %reduce_sum3A_4 : vector<1xf32> to vector<1x1x1x1xf32>
    %reduce_sum3A_6 = vector.extract %reduce_sum3A_5[0, 0, 0, 0] : f32 from vector<1x1x1x1xf32>
    %div3A = arith.constant 0x4B000000 : f32
    %div3A_7 = arith.divf %reduce_sum3A_6, %div3A : f32
    %mul3A = arith.constant 2.500000e-01 : f32
    %mul3A_8 = arith.mulf %mul3A, %div3A_7 : f32
    %reshape3A = vector.broadcast %mul3A_8 : f32 to vector<1x1xf32>
    %swap3A = arith.constant 0 : index
    %swap3A_9 = arith.constant 0 : index
    %swap3A_10 = vector.load %arg2[%swap3A, %swap3A_9] : memref<1x1xf32, #tpu.memory_space<vmem>>, vector<1x1xf32>
    tpu.vector_store %arg2[%swap3A, %swap3A_9], %reshape3A {strides = array<i32>} : memref<1x1xf32, #tpu.memory_space<vmem>>, vector<1x1xf32>,
    %get3A_11 = arith.constant 0 : index
    %get3A_12 = arith.constant 0 : index
    %get3A_13 = vector.load %arg1[%get3A_11, %get3A_12] : memref<32x8192xi32, #tpu.memory_space<vmem>>, vector<32x8192xi32>
    %convert_element_type3A = arith.sitofp %get3A_13 : vector<32x8192xi32> to vector<32x8192xf32>
    %reduce_sum3A_14 = arith.constant dense<0.000000e+00> : vector<8192xf32>
    %reduce_sum3A_15 = vector.multi_reduction <add>, %convert_element_type3A, %reduce_sum3A_14 [0] : vector<32x8192xf32> to vector<8192xf32>
    %reduce_sum3A_16 = vector.shape_cast %reduce_sum3A_15 : vector<8192xf32> to vector<1x8192xf32>
    %reduce_sum3A_17 = arith.constant dense<0.000000e+00> : vector<1xf32>
    %reduce_sum3A_18 = vector.multi_reduction <add>, %reduce_sum3A_16, %reduce_sum3A_17 [1] : vector<1x8192xf32> to vector<1xf32>
    %reduce_sum3A_19 = vector.shape_cast %reduce_sum3A_18 : vector<1xf32> to vector<1x1xf32>
    %reduce_sum3A_20 = vector.extract %reduce_sum3A_19[0, 0] : f32 from vector<1x1xf32>
    %add3A = arith.constant 1.000000e-10 : f32
    %add3A_21 = arith.addf %reduce_sum3A_20, %add3A : f32
    %div3A_22 = vector.broadcast %add3A_21 : f32 to vector<8192xf32>
    %div3A_23 = arith.divf %reduce_sum3A_15, %div3A_22 : vector<8192xf32>
    %add3A_24 = arith.constant 1.000000e-10 : f32
    %add3A_25 = vector.broadcast %add3A_24 : f32 to vector<8192xf32>
    %add3A_26 = arith.addf %div3A_23, %add3A_25 : vector<8192xf32>
    %log3A = math.log %add3A_26 : vector<8192xf32>
    %mul3A_27 = arith.mulf %div3A_23, %log3A : vector<8192xf32>
    %reduce_sum3A_28 = vector.shape_cast %mul3A_27 : vector<8192xf32> to vector<1x8192xf32>
    %reduce_sum3A_29 = arith.constant dense<0.000000e+00> : vector<1xf32>
    %reduce_sum3A_30 = vector.multi_reduction <add>, %reduce_sum3A_28, %reduce_sum3A_29 [1] : vector<1x8192xf32> to vector<1xf32>
    %reduce_sum3A_31 = vector.shape_cast %reduce_sum3A_30 : vector<1xf32> to vector<1x1xf32>
    %reduce_sum3A_32 = vector.extract %reduce_sum3A_31[0, 0] : f32 from vector<1x1xf32>
    %neg3A = arith.constant 0.000000e+00 : f32
    %neg3A_33 = arith.subf %neg3A, %reduce_sum3A_32 : f32
    %exp3A = math.exp %neg3A_33 : f32
    %reshape3A_34 = vector.broadcast %exp3A : f32 to vector<1x1xf32>
    %swap3A_35 = arith.constant 0 : index
    %swap3A_36 = arith.constant 0 : index
    %swap3A_37 = vector.load %arg3[%swap3A_35, %swap3A_36] : memref<1x1xf32, #tpu.memory_space<vmem>>, vector<1x1xf32>
    tpu.vector_store %arg3[%swap3A_35, %swap3A_36], %reshape3A_34 {strides = array<i32>} : memref<1x1xf32, #tpu.memory_space<vmem>>, vector<1x1xf32>,
    return
  }
}

module attributes {stable_mosaic.version = 14 : i64} {
  func.func @_argmin_body(%arg0: i32, %arg1: i32, %arg2: memref<1024x256xf32, #tpu.memory_space<vmem>>, %arg3: memref<2048x256xf32, #tpu.memory_space<vmem>>, %arg4: memref<1x1x1024xi32, #tpu.memory_space<vmem>>, %arg5: memref<1x1x1024xf32, #tpu.memory_space<vmem>>, %arg6: memref<1024x1xf32, #tpu.memory_space<vmem>>, %arg7: memref<2x8192xf32, #tpu.memory_space<vmem>>, %arg8: memref<1024x1xf32, #tpu.memory_space<vmem>>, %arg9: memref<1024x1xf32, #tpu.memory_space<vmem>>) attributes {dimension_semantics = [#tpu.dimension_semantics<arbitrary>, #tpu.dimension_semantics<arbitrary>], iteration_bounds = array<i64: 32, 4>, scalar_prefetch = 0 : i64, scratch_operands = 4 : i64, tpu.core_type = #tpu.core_type<tc>, window_params = [{transform_indices = @transform_0, window_bounds = array<i64: 1024, 256>}, {transform_indices = @transform_1, window_bounds = array<i64: 2048, 256>}, {transform_indices = @transform_2, window_bounds = array<i64: 1, 1, 1024>}, {transform_indices = @transform_3, window_bounds = array<i64: 1, 1, 1024>}]} {
    %get3A = arith.constant 0 : index
    %get3A_0 = arith.constant 0 : index
    %get3A_1 = vector.load %arg2[%get3A, %get3A_0] : memref<1024x256xf32, #tpu.memory_space<vmem>>, vector<1024x256xf32>
    %eq3A = arith.constant 0 : i32
    %eq3A_2 = arith.cmpi eq, %arg1, %eq3A : i32
    %convert_element_type3A = arith.extui %eq3A_2 : i1 to i32
    %cond3A = arith.constant 0 : i32
    %cond3A_3 = arith.cmpi ne, %convert_element_type3A, %cond3A : i32
    scf.if %cond3A_3 {
      %mul3A_45 = arith.mulf %get3A_1, %get3A_1 : vector<1024x256xf32>
      %reduce_sum3A = arith.constant dense<0.000000e+00> : vector<1024xf32>
      %reduce_sum3A_46 = vector.multi_reduction <add>, %mul3A_45, %reduce_sum3A [1] : vector<1024x256xf32> to vector<1024xf32>
      %broadcast_in_dim3A_47 = vector.shape_cast %reduce_sum3A_46 : vector<1024xf32> to vector<1024x1xf32>
      %swap3A = arith.constant 0 : index
      %swap3A_48 = arith.constant 0 : index
      %swap3A_49 = vector.load %arg6[%swap3A, %swap3A_48] : memref<1024x1xf32, #tpu.memory_space<vmem>>, vector<1024x1xf32>
      tpu.vector_store %arg6[%swap3A, %swap3A_48], %broadcast_in_dim3A_47 {strides = array<i32>} : memref<1024x1xf32, #tpu.memory_space<vmem>>, vector<1024x1xf32>,
    } else {
    }
    %eq3A_4 = arith.constant 0 : i32
    %eq3A_5 = arith.cmpi eq, %arg0, %eq3A_4 : i32
    %convert_element_type3A_6 = arith.extui %eq3A_5 : i1 to i32
    %cond3A_7 = arith.constant 0 : i32
    %cond3A_8 = arith.cmpi ne, %convert_element_type3A_6, %cond3A_7 : i32
    scf.if %cond3A_8 {
      %get3A_45 = arith.constant 0 : index
      %get3A_46 = arith.constant 0 : index
      %get3A_47 = vector.load %arg3[%get3A_45, %get3A_46] : memref<2048x256xf32, #tpu.memory_space<vmem>>, vector<2048x256xf32>
      %mul3A_48 = arith.mulf %get3A_47, %get3A_47 : vector<2048x256xf32>
      %reduce_sum3A = arith.constant dense<0.000000e+00> : vector<2048xf32>
      %reduce_sum3A_49 = vector.multi_reduction <add>, %mul3A_48, %reduce_sum3A [1] : vector<2048x256xf32> to vector<2048xf32>
      %mul3A_50 = arith.constant 5.000000e-01 : f32
      %mul3A_51 = vector.broadcast %mul3A_50 : f32 to vector<2048xf32>
      %mul3A_52 = arith.mulf %mul3A_51, %reduce_sum3A_49 : vector<2048xf32>
      %broadcast_in_dim3A_53 = vector.shape_cast %mul3A_52 : vector<2048xf32> to vector<1x2048xf32>
      %mul3A_54 = arith.constant 2048 : i32
      %mul3A_55 = arith.muli %arg1, %mul3A_54 : i32
      %swap3A = arith.constant 0 : index
      %swap3A_56 = arith.index_cast %mul3A_55 : i32 to index
      %swap3A_57 = vector.load %arg7[%swap3A, %swap3A_56] : memref<2x8192xf32, #tpu.memory_space<vmem>>, vector<1x2048xf32>
      tpu.vector_store %arg7[%swap3A, %swap3A_56], %broadcast_in_dim3A_53 {strides = array<i32>} : memref<2x8192xf32, #tpu.memory_space<vmem>>, vector<1x2048xf32>,
      %iota3A = tpu.iota {dimensions = array<i32: 1>} : vector<1x2048xi32>
      %convert_element_type3A_58 = arith.sitofp %iota3A : vector<1x2048xi32> to vector<1x2048xf32>
      %mul3A_59 = arith.constant 2048 : i32
      %mul3A_60 = arith.muli %arg1, %mul3A_59 : i32
      %convert_element_type3A_61 = arith.sitofp %mul3A_60 : i32 to f32
      %add3A = vector.broadcast %convert_element_type3A_61 : f32 to vector<1x2048xf32>
      %add3A_62 = arith.addf %convert_element_type3A_58, %add3A : vector<1x2048xf32>
      %mul3A_63 = arith.constant 2048 : i32
      %mul3A_64 = arith.muli %arg1, %mul3A_63 : i32
      %swap3A_65 = arith.constant 1 : index
      %swap3A_66 = arith.index_cast %mul3A_64 : i32 to index
      %swap3A_67 = vector.load %arg7[%swap3A_65, %swap3A_66] : memref<2x8192xf32, #tpu.memory_space<vmem>>, vector<1x2048xf32>
      tpu.vector_store %arg7[%swap3A_65, %swap3A_66], %add3A_62 {strides = array<i32>} : memref<2x8192xf32, #tpu.memory_space<vmem>>, vector<1x2048xf32>,
    } else {
    }
    %get3A_9 = arith.constant 0 : index
    %get3A_10 = arith.constant 0 : index
    %get3A_11 = vector.load %arg3[%get3A_9, %get3A_10] : memref<2048x256xf32, #tpu.memory_space<vmem>>, vector<2048x256xf32>
    %dot_general3A = arith.constant dense<0.000000e+00> : vector<1024x2048xf32>
    %dot_general3A_12 = tpu.matmul %get3A_1, %get3A_11, %dot_general3A {dimension_numbers = #tpu.dot_dimension_numbers<[1], [1], [0], [0], [0, 0, 1, 0], [], []>, transpose_lhs_hint = false} : vector<1024x256xf32>, vector<2048x256xf32>, vector<1024x2048xf32> -> vector<1024x2048xf32>
    %mul3A = arith.constant 2048 : i32
    %mul3A_13 = arith.muli %arg1, %mul3A : i32
    %get3A_14 = arith.constant 0 : index
    %get3A_15 = arith.index_cast %mul3A_13 : i32 to index
    %get3A_16 = vector.load %arg7[%get3A_14, %get3A_15] : memref<2x8192xf32, #tpu.memory_space<vmem>>, vector<1x2048xf32>
    %sub3A = vector.broadcast %get3A_16 : vector<1x2048xf32> to vector<1024x2048xf32>
    %sub3A_17 = arith.subf %dot_general3A_12, %sub3A : vector<1024x2048xf32>
    %reduce_max3A = arith.constant dense<0xFF800000> : vector<1024xf32>
    %reduce_max3A_18 = vector.multi_reduction <maximumf>, %sub3A_17, %reduce_max3A [1] : vector<1024x2048xf32> to vector<1024xf32>
    %broadcast_in_dim3A = vector.shape_cast %reduce_max3A_18 : vector<1024xf32> to vector<1024x1xf32>
    %mul3A_19 = arith.constant 2048 : i32
    %mul3A_20 = arith.muli %arg1, %mul3A_19 : i32
    %get3A_21 = arith.constant 1 : index
    %get3A_22 = arith.index_cast %mul3A_20 : i32 to index
    %get3A_23 = vector.load %arg7[%get3A_21, %get3A_22] : memref<2x8192xf32, #tpu.memory_space<vmem>>, vector<1x2048xf32>
    %eq3A_24 = vector.broadcast %broadcast_in_dim3A : vector<1024x1xf32> to vector<1024x2048xf32>
    %eq3A_25 = arith.cmpf oeq, %sub3A_17, %eq3A_24 : vector<1024x2048xf32>
    %jit3A = arith.constant 8.192000e+03 : f32
    %broadcast_in_dim3A_26 = vector.shape_cast %get3A_23 : vector<1x2048xf32> to vector<1x2048xf32>
    %broadcast_in_dim3A_27 = vector.broadcast %broadcast_in_dim3A_26 : vector<1x2048xf32> to vector<1024x2048xf32>
    %broadcast_in_dim3A_28 = vector.broadcast %jit3A : f32 to vector<1024x2048xf32>
    %select_n3A = arith.select %eq3A_25, %broadcast_in_dim3A_27, %broadcast_in_dim3A_28 : vector<1024x2048xi1>, vector<1024x2048xf32>
    %reduce_min3A = arith.constant dense<0x7F800000> : vector<1024xf32>
    %reduce_min3A_29 = vector.multi_reduction <minimumf>, %select_n3A, %reduce_min3A [1] : vector<1024x2048xf32> to vector<1024xf32>
    %broadcast_in_dim3A_30 = vector.shape_cast %reduce_min3A_29 : vector<1024xf32> to vector<1024x1xf32>
    %eq3A_31 = arith.constant 0 : i32
    %eq3A_32 = arith.cmpi eq, %arg1, %eq3A_31 : i32
    %convert_element_type3A_33 = arith.extui %eq3A_32 : i1 to i32
    %cond3A_34 = arith.constant 0 : i32
    %cond3A_35 = arith.cmpi ne, %convert_element_type3A_33, %cond3A_34 : i32
    scf.if %cond3A_35 {
      %swap3A = arith.constant 0 : index
      %swap3A_45 = arith.constant 0 : index
      %swap3A_46 = vector.load %arg9[%swap3A, %swap3A_45] : memref<1024x1xf32, #tpu.memory_space<vmem>>, vector<1024x1xf32>
      tpu.vector_store %arg9[%swap3A, %swap3A_45], %broadcast_in_dim3A {strides = array<i32>} : memref<1024x1xf32, #tpu.memory_space<vmem>>, vector<1024x1xf32>,
      %swap3A_47 = arith.constant 0 : index
      %swap3A_48 = arith.constant 0 : index
      %swap3A_49 = vector.load %arg8[%swap3A_47, %swap3A_48] : memref<1024x1xf32, #tpu.memory_space<vmem>>, vector<1024x1xf32>
      tpu.vector_store %arg8[%swap3A_47, %swap3A_48], %broadcast_in_dim3A_30 {strides = array<i32>} : memref<1024x1xf32, #tpu.memory_space<vmem>>, vector<1024x1xf32>,
    } else {
    }
    %gt3A = arith.constant 0 : i32
    %gt3A_36 = arith.cmpi sgt, %arg1, %gt3A : i32
    %convert_element_type3A_37 = arith.extui %gt3A_36 : i1 to i32
    %cond3A_38 = arith.constant 0 : i32
    %cond3A_39 = arith.cmpi ne, %convert_element_type3A_37, %cond3A_38 : i32
    scf.if %cond3A_39 {
      %get3A_45 = arith.constant 0 : index
      %get3A_46 = arith.constant 0 : index
      %get3A_47 = vector.load %arg9[%get3A_45, %get3A_46] : memref<1024x1xf32, #tpu.memory_space<vmem>>, vector<1024x1xf32>
      %gt3A_48 = arith.cmpf ogt, %broadcast_in_dim3A, %get3A_47 : vector<1024x1xf32>
      %get3A_49 = arith.constant 0 : index
      %get3A_50 = arith.constant 0 : index
      %get3A_51 = vector.load %arg9[%get3A_49, %get3A_50] : memref<1024x1xf32, #tpu.memory_space<vmem>>, vector<1024x1xf32>
      %select_n3A_52 = arith.select %gt3A_48, %broadcast_in_dim3A, %get3A_51 : vector<1024x1xi1>, vector<1024x1xf32>
      %swap3A = arith.constant 0 : index
      %swap3A_53 = arith.constant 0 : index
      %swap3A_54 = vector.load %arg9[%swap3A, %swap3A_53] : memref<1024x1xf32, #tpu.memory_space<vmem>>, vector<1024x1xf32>
      tpu.vector_store %arg9[%swap3A, %swap3A_53], %select_n3A_52 {strides = array<i32>} : memref<1024x1xf32, #tpu.memory_space<vmem>>, vector<1024x1xf32>,
      %get3A_55 = arith.constant 0 : index
      %get3A_56 = arith.constant 0 : index
      %get3A_57 = vector.load %arg8[%get3A_55, %get3A_56] : memref<1024x1xf32, #tpu.memory_space<vmem>>, vector<1024x1xf32>
      %select_n3A_58 = arith.select %gt3A_48, %broadcast_in_dim3A_30, %get3A_57 : vector<1024x1xi1>, vector<1024x1xf32>
      %swap3A_59 = arith.constant 0 : index
      %swap3A_60 = arith.constant 0 : index
      %swap3A_61 = vector.load %arg8[%swap3A_59, %swap3A_60] : memref<1024x1xf32, #tpu.memory_space<vmem>>, vector<1024x1xf32>
      tpu.vector_store %arg8[%swap3A_59, %swap3A_60], %select_n3A_58 {strides = array<i32>} : memref<1024x1xf32, #tpu.memory_space<vmem>>, vector<1024x1xf32>,
    } else {
    }
    %eq3A_40 = arith.constant 3 : i32
    %eq3A_41 = arith.cmpi eq, %arg1, %eq3A_40 : i32
    %convert_element_type3A_42 = arith.extui %eq3A_41 : i1 to i32
    %cond3A_43 = arith.constant 0 : i32
    %cond3A_44 = arith.cmpi ne, %convert_element_type3A_42, %cond3A_43 : i32
    scf.if %cond3A_44 {
      %get3A_45 = arith.constant 0 : index
      %get3A_46 = arith.constant 0 : index
      %get3A_47 = vector.load %arg6[%get3A_45, %get3A_46] : memref<1024x1xf32, #tpu.memory_space<vmem>>, vector<1024x1xf32>
      %get3A_48 = arith.constant 0 : index
      %get3A_49 = arith.constant 0 : index
      %get3A_50 = vector.load %arg9[%get3A_48, %get3A_49] : memref<1024x1xf32, #tpu.memory_space<vmem>>, vector<1024x1xf32>
      %mul3A_51 = arith.constant 2.000000e+00 : f32
      %mul3A_52 = vector.broadcast %mul3A_51 : f32 to vector<1024x1xf32>
      %mul3A_53 = arith.mulf %mul3A_52, %get3A_50 : vector<1024x1xf32>
      %sub3A_54 = arith.subf %get3A_47, %mul3A_53 : vector<1024x1xf32>
      %transpose3A = tpu.transpose %sub3A_54, [1, 0] : vector<1024x1xf32> -> vector<1x1024xf32>
      %broadcast_in_dim3A_55 = vector.shape_cast %transpose3A : vector<1x1024xf32> to vector<1x1x1024xf32>
      %swap3A = arith.constant 0 : index
      %swap3A_56 = arith.constant 0 : index
      %swap3A_57 = arith.constant 0 : index
      %swap3A_58 = vector.load %arg5[%swap3A, %swap3A_56, %swap3A_57] : memref<1x1x1024xf32, #tpu.memory_space<vmem>>, vector<1x1x1024xf32>
      tpu.vector_store %arg5[%swap3A, %swap3A_56, %swap3A_57], %broadcast_in_dim3A_55 {strides = array<i32>} : memref<1x1x1024xf32, #tpu.memory_space<vmem>>, vector<1x1x1024xf32>,
      %get3A_59 = arith.constant 0 : index
      %get3A_60 = arith.constant 0 : index
      %get3A_61 = vector.load %arg8[%get3A_59, %get3A_60] : memref<1024x1xf32, #tpu.memory_space<vmem>>, vector<1024x1xf32>
      %convert_element_type3A_62 = arith.fptosi %get3A_61 : vector<1024x1xf32> to vector<1024x1xi32>
      %transpose3A_63 = tpu.transpose %convert_element_type3A_62, [1, 0] : vector<1024x1xi32> -> vector<1x1024xi32>
      %broadcast_in_dim3A_64 = vector.shape_cast %transpose3A_63 : vector<1x1024xi32> to vector<1x1x1024xi32>
      %swap3A_65 = arith.constant 0 : index
      %swap3A_66 = arith.constant 0 : index
      %swap3A_67 = arith.constant 0 : index
      %swap3A_68 = vector.load %arg4[%swap3A_65, %swap3A_66, %swap3A_67] : memref<1x1x1024xi32, #tpu.memory_space<vmem>>, vector<1x1x1024xi32>
      tpu.vector_store %arg4[%swap3A_65, %swap3A_66, %swap3A_67], %broadcast_in_dim3A_64 {strides = array<i32>} : memref<1x1x1024xi32, #tpu.memory_space<vmem>>, vector<1x1x1024xi32>,
    } else {
    }
    return
  }
  func.func @transform_0(%arg0: i32, %arg1: i32) -> (i32, i32) {
    %c0_i32 = arith.constant 0 : i32
    %c0_i32_0 = arith.constant 0 : i32
    return %arg0, %c0_i32 : i32, i32
  }
  func.func @transform_1(%arg0: i32, %arg1: i32) -> (i32, i32) {
    %c0_i32 = arith.constant 0 : i32
    %c0_i32_0 = arith.constant 0 : i32
    return %arg1, %c0_i32 : i32, i32
  }
  func.func @transform_2(%arg0: i32, %arg1: i32) -> (i32, i32, i32) {
    %c0_i32 = arith.constant 0 : i32
    %c0_i32_0 = arith.constant 0 : i32
    %c0_i32_1 = arith.constant 0 : i32
    return %arg0, %c0_i32, %c0_i32_0 : i32, i32, i32
  }
  func.func @transform_3(%arg0: i32, %arg1: i32) -> (i32, i32, i32) {
    %c0_i32 = arith.constant 0 : i32
    %c0_i32_0 = arith.constant 0 : i32
    %c0_i32_1 = arith.constant 0 : i32
    return %arg0, %c0_i32, %c0_i32_0 : i32, i32, i32
  }
}

</mosaic_0001>

<sc_bundles>
// kernel: kernel.5.cloned.1.call-start
scs
__scs_entry_jumppad:
0x0: {  	(pc) =	sbr.rel $0x88, $3  }
0x1: {  	(tag) =	ssettag $0x0;
	lr =	simm.s32 $0x1  }
0x2: {  	[smem:$0x3F9F] =	sst lr;
	_ =	strace $0xD0000000  }
0x3: {  	_ = 	snop  }
0x4: {  	_ = 	snop  }
0x5: {  	_ = 	snop  }
0x6: {  	_ = 	snop  }
0x7: {  	_ = 	snop  }
__scs_overlays_trampoline_lowered:
0x8: {  	[smem:$0x3FAE] =	sst s0  }
0x9: {  	[smem:$0x3FAF] =	sst s1  }
0xa: {  	[smem:$0x3FB0] =	sst s2  }
0xb: {  	[smem:$0x3FB1] =	sst s3  }
0xc: {  	[smem:$0x3FB2] =	sst s4  }
0xd: {  	[smem:$0x3FB3] =	sst s5  }
0xe: {  	[smem:$0x3FB4] =	sst s6  }
0xf: {  	[smem:$0x3FB5] =	sst s7  }
0x10: {  	[smem:$0x3FB6] =	sst s8  }
0x11: {  	[smem:$0x3FB7] =	sst s9;
	s0 =	simm.s32 @!p0 $0x0  }
0x12: {  	s1 =	sld [smem:$0x3F9D];
	s0 =	simm.s32 @p0 $0x1  }
0x13: {  	[smem:$0x3FB8] =	sst s0;
	s0 =	simm.s32 @!p1 $0x0  }
0x14: {  	s2 =	sld [smem:$0x3F9C];
	s0 =	simm.s32 @p1 $0x1  }
0x15: {  	[smem:$0x3FB9] =	sst s0;
	s0 =	simm.s32 @!p2 $0x0  }
0x16: {  	s3 =	sld [smem:$0x3FDB];
	s0 =	simm.s32 @p2 $0x1  }
0x17: {  	s4 =	simm.s32 $0x1BF5;
	[smem:$0x3FBB] =	sst s0  }
0x18: {  	s0 =	sld [smem:$0x3F9E];
	_ =	swait.ge [sflag:s4], $0x0  }
0x19: {  	s7 =	sld [smem:$0x3F9F]  }
0x1a: {  	s8 =	sadd.s32 $0xFFFFE003, lr  }
0x1b: {  	s9 =	sadd.s32 $0xFFFFFEF7, lr;
	s5 =	simm.s32 $0xFFFFFFFF;
	p2 =	slt.u32 s8, $0xFFFFF086  }
0x1c: {  	p1 =	slt.u32 s9, $0xF7A;
	s5 =	simm.s32 @!p2 $0x0  }
0x1d: {  	s5 =	simm.s32 @p1 $0x1;
	p0 =	seq.s32 s7, s2  }
0x1e: {  	s7 =	smul.u32 @!p0 $0xF7A, s2;
	p2 =	seq.s32 @!p0 s5, $0x0  }
0x1f: {  	s9 =	smul.u32 $0xF7A, s1;
	s8 =	simm.s32 @!p0 $0x1BF5;
	p2 =	por !p2, p0  }
0x20: {  	[sflag:s8] =	ssyncset.s32 @!p0 $0xFFFFF086;
	s6 =	sadd.s32 @!p0 s3, s7;
	s7 =	simm.s32 @!p0 $0x108  }
0x21: {  	s3 =	sadd.s32 s3, s9;
	s6 =	sadd.s32 @!p0 $0x88, s6;
	s7 =	simm.s32 @p2 $0x1082  }
0x22: {  	[simem:s7], [sflag:s8] =	dma.local @!p0 [hbm:s6], $0xF7A  }
0x23: {  	s9 =	sor.u32 $0xD0000000, s2;
	s6 =	simm.s32 $0x108;
	_ =	swait.ge @!p0 [sflag:s8], $0x0  }
0x24: {  	s3 =	sadd.s32 $0x88, s3;
	s6 =	simm.s32 @!p1 $0x1082;
	[sflag:s4] =	ssyncset.s32 $0xFFFFF086  }
0x25: {  	[simem:s6], [sflag:s4] =	dma.local [hbm:s3], $0xF7A  }
0x26: {  	[smem:$0x3F9F] =	sst s1;
	(tag) =	ssettag s2;
	_ =	strace s9  }
0x27: {  	s1 =	sld [smem:$0x3FAF]  }
0x28: {  	s2 =	sld [smem:$0x3FB0]  }
0x29: {  	s4 =	sld [smem:$0x3FB2]  }
0x2a: {  	p0 =	seq.s32 s5, $0x0;
	s5 =	sld [smem:$0x3FB3]  }
0x2b: {  	s6 =	sld [smem:$0x3FB4]  }
0x2c: {  	s7 =	sld [smem:$0x3FB5]  }
0x2d: {  	s3 =	simm.s32 $0x108;
	s8 =	sld [smem:$0x3FB6]  }
0x2e: {  	s3 =	simm.s32 @!p0 $0x1082;
	s9 =	sld [smem:$0x3FB7]  }
0x2f: {  	lr =	sadd.s32 s0, s3;
	s0 =	sld [smem:$0x3FAE]  }
0x30: {  	s3 =	sld [smem:$0x3FB1]  }
0x31: {  	[smem:$0x3FBA] =	sst s10  }
0x32: {  	s10 =	sld [smem:$0x3FB8];
	_ =	sdelay $0x3  }
0x33: {  	p0 =	seq.s32 s10, $0x1;
	s10 =	sld [smem:$0x3FBA];
	_ =	sdelay $0x3  }
0x34: {  	[smem:$0x3FBA] =	sst s10  }
0x35: {  	s10 =	sld [smem:$0x3FB9];
	_ =	sdelay $0x3  }
0x36: {  	p1 =	seq.s32 s10, $0x1;
	s10 =	sld [smem:$0x3FBA];
	_ =	sdelay $0x3  }
0x37: {  	[smem:$0x3FBA] =	sst s10  }
0x38: {  	s10 =	sld [smem:$0x3FBB]  }
0x39: {  	_ = 	snop;
	(pc) =	sbr.ind lr, $3  }
0x3a: {  	_ = 	snop  }
0x3b: {  	_ = 	snop  }
0x3c: {  	p2 =	seq.s32 s10, $0x1;
	s10 =	sld [smem:$0x3FBA]  }
0x3d: {  	_ =	shalt  }
0x3e: {  	_ =	shalt  }
0x3f: {  	_ =	shalt  }
0x40: {  	_ =	shalt  }
0x41: {  	_ =	shalt  }
0x42: {  	_ =	shalt  }
0x43: {  	_ =	shalt  }
0x44: {  	_ =	shalt  }
0x45: {  	_ =	shalt  }
0x46: {  	_ =	shalt  }
0x47: {  	_ =	shalt  }
0x48: {  	_ =	shalt  }
0x49: {  	_ =	shalt  }
0x4a: {  	_ =	shalt  }
0x4b: {  	_ =	shalt  }
0x4c: {  	_ =	shalt  }
0x4d: {  	_ =	shalt  }
0x4e: {  	_ =	shalt  }
0x4f: {  	_ =	shalt  }
0x50: {  	_ =	shalt  }
0x51: {  	_ =	shalt  }
0x52: {  	_ =	shalt  }
0x53: {  	_ =	shalt  }
0x54: {  	_ =	shalt  }
0x55: {  	_ =	shalt  }
0x56: {  	_ =	shalt  }
0x57: {  	_ =	shalt  }
0x58: {  	_ =	shalt  }
0x59: {  	_ =	shalt  }
0x5a: {  	_ =	shalt  }
0x5b: {  	_ =	shalt  }
0x5c: {  	_ =	shalt  }
0x5d: {  	_ =	shalt  }
0x5e: {  	_ =	shalt  }
0x5f: {  	_ =	shalt  }
0x60: {  	_ =	shalt  }
0x61: {  	_ =	shalt  }
0x62: {  	_ =	shalt  }
0x63: {  	_ =	shalt  }
0x64: {  	_ =	shalt  }
0x65: {  	_ =	shalt  }
0x66: {  	_ =	shalt  }
0x67: {  	_ =	shalt  }
0x68: {  	_ =	shalt  }
0x69: {  	_ =	shalt  }
0x6a: {  	_ =	shalt  }
0x6b: {  	_ =	shalt  }
0x6c: {  	_ =	shalt  }
0x6d: {  	_ =	shalt  }
0x6e: {  	_ =	shalt  }
0x6f: {  	_ =	shalt  }
0x70: {  	_ =	shalt  }
0x71: {  	_ =	shalt  }
0x72: {  	_ =	shalt  }
0x73: {  	_ =	shalt  }
0x74: {  	_ =	shalt  }
0x75: {  	_ =	shalt  }
0x76: {  	_ =	shalt  }
0x77: {  	_ =	shalt  }
0x78: {  	_ =	shalt  }
0x79: {  	_ =	shalt  }
0x7a: {  	_ =	shalt  }
0x7b: {  	_ =	shalt  }
0x7c: {  	_ =	shalt  }
0x7d: {  	_ =	shalt  }
0x7e: {  	_ =	shalt  }
0x7f: {  	_ =	shalt  }
0x80: {  	_ =	shalt  }
0x81: {  	_ =	shalt  }
0x82: {  	_ =	shalt  }
0x83: {  	_ =	shalt  }
0x84: {  	_ =	shalt  }
0x85: {  	_ =	shalt  }
0x86: {  	_ =	shalt  }
0x87: {  	_ =	shalt  }
.Lfunc_end0:
.L_simem_size_0:
called_computation_lowered:
.L_overlay_start_0:
0x88: {  	s2 =	sld [smem:$0x3FD9]  }
0x89: {  	s3 =	sld [smem:$0x3FFE];
	_ =	sdelay $0x1  }
0x8a: {  	s1 =	srdreg.scid  }
0x8b: {  	s0 =	sand.u32 $0x1, s1  }
0x8c: {  	s14 =	sshll.u32 s0, $0xA;
	s2 =	sadd.s32 s3, s2  }
0x8d: {  	s2 =	sadd.s32 s2, s14  }
0x8e: {  	[smem:$0x3FC6] =	sst s2  }
0x8f: {  	_ = 	snop  }
0x90: {  	s2 =	sld [smem:$0x3FD0];
	_ =	sdelay $0x2  }
0x91: {  	s4 =	simm.s32 $0xA;
	s5 =	simm.s32 $0x10;
	s15 =	sld [smem:$0x3FC8]  }
0x92: {  	[smem:s5], [sflag:s4] =	dma.local [hbm:s2], $0x1  }
0x93: {  	_ =	swait.eq [sflag:s4], $0x1  }
0x94: {  	[sflag:s4] =	ssyncset.done $0x0  }
0x95: {  	[sflag:s4] =	ssyncadd.s32 $0xFFFFFFFF  }
0x96: {  	s16 =	sld [smem:$0x10];
	(tm) =	ssettm $0x1  }
0x97: {  	s17 =	sld [smem:$0x3FFB];
	_ =	sdelay $0x3  }
0x98: {  	_ =	strace s17  }
0x99: {  	s4 =	sld [smem:$0x3FFC];
	_ =	sdelay $0x3  }
0x9a: {  	_ =	strace s4  }
0x9b: {  	s4 =	sld [smem:$0x3FFD];
	_ =	sdelay $0x3  }
0x9c: {  	_ =	strace s4  }
0x9d: {  	_ =	strace $0x8FFFFFFF  }
0x9e: {  	s18 =	sld [smem:$0x3FDB];
	_ =	sdelay $0x1  }
0x9f: {  	s19 =	simm.s32 $_scs_section_size  }
0xa0: {  	s6 =	simm.s32 $_size__tile_overlayer_lowered;
	s7 =	simm.s32 $_tile_overlayer_lowered  }
0xa1: {  	s22 =	simm.s32 $0x1BFF;
	s21 =	sshll.u32 s7, $0x1;
	s4 =	sadd.s32 s19, s18  }
0xa2: {  	s8 =	simm.s32 $0x0;
	s20 =	sshll.u32 s6, $0x1;
	s6 =	sadd.s32 s21, s4  }
0xa3: {  	[timem:s8], [sflag:s22] =	dma.local [hbm:s6], s20  }
0xa4: {  	_ =	swait.ge [sflag:s22], s20  }
0xa5: {  	s5 =	ssub.s32 $0x0, s20;
	[sflag:s22] =	ssyncset.done $0x0  }
0xa6: {  	[sflag:s22] =	ssyncadd.s32 s5;
	_ =	sdelay $0x1  }
0xa7: {  	s23 =	simm.s32 $0x1B8B  }
0xa8: {  	_ =	swait.ge [sflag:s23], $0x1  }
0xa9: {  	[sflag:s23] =	ssyncset.done $0x0  }
0xaa: {  	s25 =	simm.s32 $0x1B8E;
	s24 =	sld [smem:$0x3FFE];
	[sflag:s23] =	ssyncadd.s32 $0xFFFFFFFF  }
0xab: {  	s26 =	simm.s32 $execute0_lowered;
	[smem:$0x3FD2] =	sst s25  }
0xac: {  	s6 =	sshll.u32 s26, $0x1;
	_ =	strace $0x80000046;
	[dreg:$0x1] =	wrdreg $0xFFFFFFFF  }
0xad: {  	s28 =	simm.s32 $_size_execute0_lowered;
	s4 =	sadd.s32 s4, s6;
	[dreg:$0x0] =	wrdreg $0x0  }
0xae: {  	s6 =	sshll.u32 s28, $0x1;
	[dreg:$0x2] =	wrdreg s4  }
0xaf: {  	[dreg:$0x3] =	wrdreg s6  }
0xb0: {  	[dreg:$0x4] =	wrdreg $0xC0  }
0xb1: {  	_ =	task [dreg:s8], $0x5FFFF  }
0xb2: {  	[dreg:$0x1] =	wrdreg $0xFFFFFFFF  }
0xb3: {  	[dreg:$0x0] =	wrdreg $0x60  }
0xb4: {  	[dreg:$0x2] =	wrdreg s24  }
0xb5: {  	[dreg:$0x3] =	wrdreg s15  }
0xb6: {  	[dreg:$0x4] =	wrdreg s16  }
0xb7: {  	[dreg:$0x5] =	wrdreg $0x9  }
0xb8: {  	_ =	task.clear_ibuf [dreg:s8], $0x6FFFF;
	_ =	strace $0x90000046  }
0xb9: {  	s29 =	simm.s32 $0x9;
	_ =	strace $0x80000048  }
0xba: {  	_ =	swait.ge [sflag:s29], $0x1  }
0xbb: {  	[sflag:s29] =	ssyncadd.s32 $0xFFFFFFFF  }
0xbc: {  	_ =	strace $0x90000048  }
0xbd: {  	_ =	sfence  }
0xbe: {  	s30 =	sld [smem:$0x0];
	_ =	sdelay $0x2  }
0xbf: {  	s31 =	sshll.u32 s1, $0xD;
	s1 =	sshrl.u32 s1, $0x2  }
0xc0: {  	s3 =	sand.u32 $0x4000, s31;
	s1 =	sadd.s32 s1, s30  }
0xc1: {  	s0 =	sor.u32 s3, s0;
	s1 =	sshll.u32 s1, $0x11  }
0xc2: {  	s0 =	sor.u32 s1, s0  }
0xc3: {  	s0 =	sadd.s32 $0x8F2B, s0  }
0xc4: {  	[sflag:s0] =	ssyncadd.remote.s32 $0x1  }
0xc5: {  	_ =	sfence.sel $0xFFFF  }
0xc6: {  	[dreg:$0x0] =	wrdreg $0xFFFFFFFF;
	(pc) =	sbr.abs _section_cstart, $3  }
0xc7: {  	[dreg:$0x1] =	wrdreg $0xFFFFFFFF  }
0xc8: {  	_ =	task.clear_ibuf [dreg:s8], $0x2FFFF;
	_ =	strace $0x9FFFFFFF  }
0xc9: {  	(tm) =	ssettm $0x7FFFFFFF  }
tec
execute0_lowered:
.L_overlay_start_1:
0x0: {  	(tag) =	ssettag $0x1  }
0x1: {  	s0 =	rddreg [dreg:$0x0]  }
0x2: {  	s2 =	rddreg [dreg:$0x1];
	s1 =	srdreg.scid  }
0x3: {  	s6 =	stileid.u32;
	s3 =	rddreg [dreg:$0x2]  }
0x4: {  	s7 =	simm.s32 $0x0;
	s11 =	simm.s32 $0x2;
	s26 =	simm.s32 $0x400  }
0x5: {  	s1 =	sand.u32 $0x1, s1;
	s4 =	sshll.u32 s6, $0x1;
	[smem:$0x7FF] =	sst s7  }
0x6: {  	s6 =	sshll.u32 s6, $0xE;
	s4 =	sor.u32 s1, s4;
	_ =	strace $0x80000047  }
0x7: {  	s1 =	ssub.s32 $0x2, s1;
	s5 =	sshll.u32 s4, $0x7;
	s4 =	sshll.u32 s4, $0xF  }
0x8: {  	s6 =	sor.u32 s6, s5;
	s5 =	sadd.s32 s5, s0;
	s3 =	sadd.s32 s3, s4  }
0x9: {  	s29 =	sshrl.u32 s1, $0x1;
	s5 =	sadd.s32 $0x1200, s5;
	[dreg:$0x5] =	wrdreg s3  }
0xa: {  	s1 =	ssub.s32 s1, s29;
	s4 =	sadd.s32 $0x2000, s3;
	[dreg:$0x4] =	wrdreg s5  }
0xb: {  	s6 =	sand.u32 $0x30380, s6;
	s30 =	sadd.s32 $0x4000, s3;
	[dreg:$0x6] =	wrdreg s4  }
0xc: {  	s3 =	sadd.s32 $0x6000, s3;
	s6 =	sshrl.u32 s6, $0x3;
	[dreg:$0x7] =	wrdreg s30  }
0xd: {  	v3 =	vlaneseq.u32;
	v0 =	vimm.s32 $0x0;
	s31 =	smax.u32 s1, $0x1;
	[dreg:$0x8] =	wrdreg s3;
	s0 =	sadd.s32 s6, s0  }
0xe: {  	s16 =	simm.s32 $0x1;
	vm0 =	vmmov $0xffff;
	v4 =	vimm.s32 $0x1;
	v2 =	vshrl.u32 v3, $0x3;
	[dreg:$0xa] =	wrdreg s31;
	s0 =	sadd.s32 $0x2200, s0  }
0xf: {  	s17 =	simm.s32 $0x10400;
	s18 =	simm.s32 $0x0;
	v1 =	vand.u32 $0x7, v3;
	v3 =	vor.u32 $0x8, v3;
	v2 =	vmul.u32 $0x8, v2;
	[dreg:$0x9] =	wrdreg s0  }
.LBB2_1:
0x10: {  	s19 =	simm.s32 $0x0;
	s20 =	rddreg [dreg:$0x4]  }
0x11: {  	[tilespmem:s19], [sflag:$0x2] =	stream.linear.gather [hbm4b:s20+s19], $0x400, $0x38;
	[tilespmem:$0x12400] =	vst v63  }
0x12: {  	_ =	swait.ge [sflag:s11], $0x400  }
0x13: {  	[sflag:s11] =	ssyncset.done $0x0  }
0x14: {  	s19 =	simm.s32 $0x40;
	s20 =	simm.s32 $0x0;
	[sflag:s11] =	ssyncadd.s32 $0xFFFFFC00  }
.LBB2_2:
0x15: {  	p0 =	sne.s32 s19, $0x7FC0;
	[tilespmem:s20+$0x10400] =	vst v0;
	s20 =	smov.u32 s19;
	s19 =	sadd.s32 $0x40, s19  }
.Ltmp0:
0x16: {  	(pc) =	sbr.rel @p0 .LBB2_2-.Ltmp0, $2  }
0x17: {  	_ =	sdelay $0x2  }
0x18: {  	s20 =	sshra.s32 s20, $0x2  }
0x19: {  	[tilespmem:s20+$0x10400] =	vst v0  }
0x1a: {  	v5 =	vld [tilespmem:$0x0];
	_ =	sdelay $0x4  }
0x1b: {  	v6 =	vshll.u32 v5, $0x1  }
0x1c: {  	v5 =	vand.u32 $0x7, v5;
	v6 =	vand.u32 $0xFFFFFFF0, v6  }
0x1d: {  	v5 =	vor.u32 v5, v6  }
0x1e: {  	v6 =	vperm.xlane v5, v1;
	_ =	sdelay $0x1  }
0x1f: {  	v5 =	vperm.xlane v5, v3;
	v6 =	vadd.s32 v2, v6;
	_ =	sdelay $0x1  }
0x20: {  	v5 =	vadd.s32 v2, v5;
	_ =	sdelay $0x1  }
0x21: {  	s19 =	simm.s32 $0x0  }
0x22: {  	[tilespmem:s26], [sflag:$0x1] =	stream.indirect_vreg.gather [hbm4b:s2+s19], $0x80, v6, vm0, $0xb8;
	[tilespmem:$0x12400] =	vst v63  }
0x23: {  	s0 =	simm.s32 $0xC00  }
0x24: {  	[tilespmem:s0], [sflag:$0x1] =	stream.indirect_vreg.gather [hbm4b:s2+s19], $0x80, v5, vm0, $0xb8;
	[tilespmem:$0x12400] =	vst v63  }
0x25: {  	v5 =	vld [tilespmem:$0x10];
	_ =	sdelay $0x4  }
0x26: {  	v6 =	vshll.u32 v5, $0x1  }
0x27: {  	v5 =	vand.u32 $0x7, v5;
	v6 =	vand.u32 $0xFFFFFFF0, v6  }
0x28: {  	v5 =	vor.u32 v5, v6  }
0x29: {  	v6 =	vperm.xlane v5, v1;
	_ =	sdelay $0x1  }
0x2a: {  	v5 =	vperm.xlane v5, v3;
	v6 =	vadd.s32 v2, v6;
	_ =	sdelay $0x1  }
0x2b: {  	v5 =	vadd.s32 v2, v5;
	_ =	sdelay $0x1  }
0x2c: {  	s13 =	simm.s32 $0x1400  }
0x2d: {  	[tilespmem:s13], [sflag:$0x1] =	stream.indirect_vreg.gather [hbm4b:s2+s19], $0x80, v6, vm0, $0xb8;
	[tilespmem:$0x12400] =	vst v63  }
0x2e: {  	s14 =	simm.s32 $0x1C00  }
0x2f: {  	[tilespmem:s14], [sflag:$0x1] =	stream.indirect_vreg.gather [hbm4b:s2+s19], $0x80, v5, vm0, $0xb8;
	[tilespmem:$0x12400] =	vst v63  }
0x30: {  	v5 =	vld [tilespmem:$0x20];
	_ =	sdelay $0x4  }
0x31: {  	v6 =	vshll.u32 v5, $0x1  }
0x32: {  	v5 =	vand.u32 $0x7, v5;
	v6 =	vand.u32 $0xFFFFFFF0, v6  }
0x33: {  	v5 =	vor.u32 v5, v6  }
0x34: {  	v6 =	vperm.xlane v5, v1;
	_ =	sdelay $0x1  }
0x35: {  	v5 =	vperm.xlane v5, v3;
	v6 =	vadd.s32 v2, v6;
	_ =	sdelay $0x1  }
0x36: {  	v5 =	vadd.s32 v2, v5;
	_ =	sdelay $0x1  }
0x37: {  	s15 =	simm.s32 $0x2400  }
0x38: {  	[tilespmem:s15], [sflag:$0x1] =	stream.indirect_vreg.gather [hbm4b:s2+s19], $0x80, v6, vm0, $0xb8;
	[tilespmem:$0x12400] =	vst v63  }
0x39: {  	s20 =	simm.s32 $0x2C00  }
0x3a: {  	[tilespmem:s20], [sflag:$0x1] =	stream.indirect_vreg.gather [hbm4b:s2+s19], $0x80, v5, vm0, $0xb8;
	[tilespmem:$0x12400] =	vst v63  }
0x3b: {  	v5 =	vld [tilespmem:$0x30];
	_ =	sdelay $0x4  }
0x3c: {  	v6 =	vshll.u32 v5, $0x1  }
0x3d: {  	v5 =	vand.u32 $0x7, v5;
	v6 =	vand.u32 $0xFFFFFFF0, v6  }
0x3e: {  	v5 =	vor.u32 v5, v6  }
0x3f: {  	v6 =	vperm.xlane v5, v1;
	_ =	sdelay $0x1  }
0x40: {  	v5 =	vperm.xlane v5, v3;
	v6 =	vadd.s32 v2, v6;
	_ =	sdelay $0x1  }
0x41: {  	v5 =	vadd.s32 v2, v5;
	_ =	sdelay $0x1  }
0x42: {  	s21 =	simm.s32 $0x3400  }
0x43: {  	[tilespmem:s21], [sflag:$0x1] =	stream.indirect_vreg.gather [hbm4b:s2+s19], $0x80, v6, vm0, $0xb8;
	[tilespmem:$0x12400] =	vst v63  }
0x44: {  	s22 =	simm.s32 $0x3C00  }
0x45: {  	[tilespmem:s22], [sflag:$0x1] =	stream.indirect_vreg.gather [hbm4b:s2+s19], $0x80, v5, vm0, $0xb8;
	[tilespmem:$0x12400] =	vst v63  }
0x46: {  	v5 =	vld [tilespmem:$0x40];
	_ =	sdelay $0x4  }
0x47: {  	v6 =	vshll.u32 v5, $0x1  }
0x48: {  	v5 =	vand.u32 $0x7, v5;
	v6 =	vand.u32 $0xFFFFFFF0, v6  }
0x49: {  	v5 =	vor.u32 v5, v6  }
0x4a: {  	v6 =	vperm.xlane v5, v1;
	_ =	sdelay $0x1  }
0x4b: {  	v5 =	vperm.xlane v5, v3;
	v6 =	vadd.s32 v2, v6;
	_ =	sdelay $0x1  }
0x4c: {  	v5 =	vadd.s32 v2, v5;
	_ =	sdelay $0x1  }
0x4d: {  	s23 =	simm.s32 $0x4400  }
0x4e: {  	[tilespmem:s23], [sflag:$0x1] =	stream.indirect_vreg.gather [hbm4b:s2+s19], $0x80, v6, vm0, $0xb8;
	[tilespmem:$0x12400] =	vst v63  }
0x4f: {  	s24 =	simm.s32 $0x4C00  }
0x50: {  	[tilespmem:s24], [sflag:$0x1] =	stream.indirect_vreg.gather [hbm4b:s2+s19], $0x80, v5, vm0, $0xb8;
	[tilespmem:$0x12400] =	vst v63  }
0x51: {  	v5 =	vld [tilespmem:$0x50];
	_ =	sdelay $0x4  }
0x52: {  	v6 =	vshll.u32 v5, $0x1  }
0x53: {  	v5 =	vand.u32 $0x7, v5;
	v6 =	vand.u32 $0xFFFFFFF0, v6  }
0x54: {  	v5 =	vor.u32 v5, v6  }
0x55: {  	v6 =	vperm.xlane v5, v1;
	_ =	sdelay $0x1  }
0x56: {  	v5 =	vperm.xlane v5, v3;
	v6 =	vadd.s32 v2, v6;
	_ =	sdelay $0x1  }
0x57: {  	v5 =	vadd.s32 v2, v5;
	_ =	sdelay $0x1  }
0x58: {  	s25 =	simm.s32 $0x5400  }
0x59: {  	[tilespmem:s25], [sflag:$0x1] =	stream.indirect_vreg.gather [hbm4b:s2+s19], $0x80, v6, vm0, $0xb8;
	[tilespmem:$0x12400] =	vst v63  }
0x5a: {  	s28 =	simm.s32 $0x5C00  }
0x5b: {  	[tilespmem:s28], [sflag:$0x1] =	stream.indirect_vreg.gather [hbm4b:s2+s19], $0x80, v5, vm0, $0xb8;
	[tilespmem:$0x12400] =	vst v63  }
0x5c: {  	v5 =	vld [tilespmem:$0x60];
	_ =	sdelay $0x4  }
0x5d: {  	v6 =	vshll.u32 v5, $0x1  }
0x5e: {  	v5 =	vand.u32 $0x7, v5;
	v6 =	vand.u32 $0xFFFFFFF0, v6  }
0x5f: {  	v5 =	vor.u32 v5, v6  }
0x60: {  	v6 =	vperm.xlane v5, v1;
	_ =	sdelay $0x1  }
0x61: {  	v5 =	vperm.xlane v5, v3;
	v6 =	vadd.s32 v2, v6;
	_ =	sdelay $0x1  }
0x62: {  	v5 =	vadd.s32 v2, v5;
	_ =	sdelay $0x1  }
0x63: {  	s29 =	simm.s32 $0x6400  }
0x64: {  	[tilespmem:s29], [sflag:$0x1] =	stream.indirect_vreg.gather [hbm4b:s2+s19], $0x80, v6, vm0, $0xb8;
	[tilespmem:$0x12400] =	vst v63  }
0x65: {  	s30 =	simm.s32 $0x6C00  }
0x66: {  	[tilespmem:s30], [sflag:$0x1] =	stream.indirect_vreg.gather [hbm4b:s2+s19], $0x80, v5, vm0, $0xb8;
	[tilespmem:$0x12400] =	vst v63  }
0x67: {  	v5 =	vld [tilespmem:$0x70];
	_ =	sdelay $0x4  }
0x68: {  	v6 =	vshll.u32 v5, $0x1  }
0x69: {  	v5 =	vand.u32 $0x7, v5;
	v6 =	vand.u32 $0xFFFFFFF0, v6  }
0x6a: {  	v5 =	vor.u32 v5, v6  }
0x6b: {  	v6 =	vperm.xlane v5, v1;
	_ =	sdelay $0x1  }
0x6c: {  	v5 =	vperm.xlane v5, v3;
	v6 =	vadd.s32 v2, v6;
	_ =	sdelay $0x1  }
0x6d: {  	v5 =	vadd.s32 v2, v5;
	_ =	sdelay $0x1  }
0x6e: {  	s31 =	simm.s32 $0x7400  }
0x6f: {  	[tilespmem:s31], [sflag:$0x1] =	stream.indirect_vreg.gather [hbm4b:s2+s19], $0x80, v6, vm0, $0xb8;
	[tilespmem:$0x12400] =	vst v63  }
0x70: {  	s4 =	simm.s32 $0x7C00  }
0x71: {  	[tilespmem:s4], [sflag:$0x1] =	stream.indirect_vreg.gather [hbm4b:s2+s19], $0x80, v5, vm0, $0xb8;
	[tilespmem:$0x12400] =	vst v63  }
0x72: {  	v5 =	vld [tilespmem:$0x80];
	_ =	sdelay $0x4  }
0x73: {  	v6 =	vshll.u32 v5, $0x1  }
0x74: {  	v5 =	vand.u32 $0x7, v5;
	v6 =	vand.u32 $0xFFFFFFF0, v6  }
0x75: {  	v5 =	vor.u32 v5, v6  }
0x76: {  	v6 =	vperm.xlane v5, v1;
	_ =	sdelay $0x1  }
0x77: {  	v5 =	vperm.xlane v5, v3;
	v6 =	vadd.s32 v2, v6;
	_ =	sdelay $0x1  }
0x78: {  	v5 =	vadd.s32 v2, v5;
	_ =	sdelay $0x1  }
0x79: {  	s8 =	simm.s32 $0x8400  }
0x7a: {  	[tilespmem:s8], [sflag:$0x1] =	stream.indirect_vreg.gather [hbm4b:s2+s19], $0x80, v6, vm0, $0xb8;
	[tilespmem:$0x12400] =	vst v63  }
0x7b: {  	s9 =	simm.s32 $0x8C00  }
0x7c: {  	[tilespmem:s9], [sflag:$0x1] =	stream.indirect_vreg.gather [hbm4b:s2+s19], $0x80, v5, vm0, $0xb8;
	[tilespmem:$0x12400] =	vst v63  }
0x7d: {  	v5 =	vld [tilespmem:$0x90];
	_ =	sdelay $0x4  }
0x7e: {  	v6 =	vshll.u32 v5, $0x1  }
0x7f: {  	v5 =	vand.u32 $0x7, v5;
	v6 =	vand.u32 $0xFFFFFFF0, v6  }
0x80: {  	v5 =	vor.u32 v5, v6  }
0x81: {  	v6 =	vperm.xlane v5, v1;
	_ =	sdelay $0x1  }
0x82: {  	v5 =	vperm.xlane v5, v3;
	v6 =	vadd.s32 v2, v6;
	_ =	sdelay $0x1  }
0x83: {  	v5 =	vadd.s32 v2, v5;
	_ =	sdelay $0x1  }
0x84: {  	s10 =	simm.s32 $0x9400  }
0x85: {  	[tilespmem:s10], [sflag:$0x1] =	stream.indirect_vreg.gather [hbm4b:s2+s19], $0x80, v6, vm0, $0xb8;
	[tilespmem:$0x12400] =	vst v63  }
0x86: {  	s13 =	simm.s32 $0x9C00  }
0x87: {  	[tilespmem:s13], [sflag:$0x1] =	stream.indirect_vreg.gather [hbm4b:s2+s19], $0x80, v5, vm0, $0xb8;
	[tilespmem:$0x12400] =	vst v63  }
0x88: {  	v5 =	vld [tilespmem:$0xA0];
	_ =	sdelay $0x4  }
0x89: {  	v6 =	vshll.u32 v5, $0x1  }
0x8a: {  	v5 =	vand.u32 $0x7, v5;
	v6 =	vand.u32 $0xFFFFFFF0, v6  }
0x8b: {  	v5 =	vor.u32 v5, v6  }
0x8c: {  	v6 =	vperm.xlane v5, v1;
	_ =	sdelay $0x1  }
0x8d: {  	v5 =	vperm.xlane v5, v3;
	v6 =	vadd.s32 v2, v6;
	_ =	sdelay $0x1  }
0x8e: {  	v5 =	vadd.s32 v2, v5;
	_ =	sdelay $0x1  }
0x8f: {  	s14 =	simm.s32 $0xA400  }
0x90: {  	[tilespmem:s14], [sflag:$0x1] =	stream.indirect_vreg.gather [hbm4b:s2+s19], $0x80, v6, vm0, $0xb8;
	[tilespmem:$0x12400] =	vst v63  }
0x91: {  	s15 =	simm.s32 $0xAC00  }
0x92: {  	[tilespmem:s15], [sflag:$0x1] =	stream.indirect_vreg.gather [hbm4b:s2+s19], $0x80, v5, vm0, $0xb8;
	[tilespmem:$0x12400] =	vst v63  }
0x93: {  	v5 =	vld [tilespmem:$0xB0];
	_ =	sdelay $0x4  }
0x94: {  	v6 =	vshll.u32 v5, $0x1  }
0x95: {  	v5 =	vand.u32 $0x7, v5;
	v6 =	vand.u32 $0xFFFFFFF0, v6  }
0x96: {  	v5 =	vor.u32 v5, v6  }
0x97: {  	v6 =	vperm.xlane v5, v1;
	_ =	sdelay $0x1  }
0x98: {  	v5 =	vperm.xlane v5, v3;
	v6 =	vadd.s32 v2, v6;
	_ =	sdelay $0x1  }
0x99: {  	v5 =	vadd.s32 v2, v5;
	_ =	sdelay $0x1  }
0x9a: {  	s20 =	simm.s32 $0xB400  }
0x9b: {  	[tilespmem:s20], [sflag:$0x1] =	stream.indirect_vreg.gather [hbm4b:s2+s19], $0x80, v6, vm0, $0xb8;
	[tilespmem:$0x12400] =	vst v63  }
0x9c: {  	s21 =	simm.s32 $0xBC00  }
0x9d: {  	[tilespmem:s21], [sflag:$0x1] =	stream.indirect_vreg.gather [hbm4b:s2+s19], $0x80, v5, vm0, $0xb8;
	[tilespmem:$0x12400] =	vst v63  }
0x9e: {  	v5 =	vld [tilespmem:$0xC0];
	_ =	sdelay $0x4  }
0x9f: {  	v6 =	vshll.u32 v5, $0x1  }
0xa0: {  	v5 =	vand.u32 $0x7, v5;
	v6 =	vand.u32 $0xFFFFFFF0, v6  }
0xa1: {  	v5 =	vor.u32 v5, v6  }
0xa2: {  	v6 =	vperm.xlane v5, v1;
	_ =	sdelay $0x1  }
0xa3: {  	v5 =	vperm.xlane v5, v3;
	v6 =	vadd.s32 v2, v6;
	_ =	sdelay $0x1  }
0xa4: {  	v5 =	vadd.s32 v2, v5;
	_ =	sdelay $0x1  }
0xa5: {  	s22 =	simm.s32 $0xC400  }
0xa6: {  	[tilespmem:s22], [sflag:$0x1] =	stream.indirect_vreg.gather [hbm4b:s2+s19], $0x80, v6, vm0, $0xb8;
	[tilespmem:$0x12400] =	vst v63  }
0xa7: {  	s24 =	simm.s32 $0xCC00  }
0xa8: {  	[tilespmem:s24], [sflag:$0x1] =	stream.indirect_vreg.gather [hbm4b:s2+s19], $0x80, v5, vm0, $0xb8;
	[tilespmem:$0x12400] =	vst v63  }
0xa9: {  	v5 =	vld [tilespmem:$0xD0];
	_ =	sdelay $0x4  }
0xaa: {  	v6 =	vshll.u32 v5, $0x1  }
0xab: {  	v5 =	vand.u32 $0x7, v5;
	v6 =	vand.u32 $0xFFFFFFF0, v6  }
0xac: {  	v5 =	vor.u32 v5, v6  }
0xad: {  	v6 =	vperm.xlane v5, v1;
	_ =	sdelay $0x1  }
0xae: {  	v5 =	vperm.xlane v5, v3;
	v6 =	vadd.s32 v2, v6;
	_ =	sdelay $0x1  }
0xaf: {  	v5 =	vadd.s32 v2, v5;
	_ =	sdelay $0x1  }
0xb0: {  	s25 =	simm.s32 $0xD400  }
0xb1: {  	[tilespmem:s25], [sflag:$0x1] =	stream.indirect_vreg.gather [hbm4b:s2+s19], $0x80, v6, vm0, $0xb8;
	[tilespmem:$0x12400] =	vst v63  }
0xb2: {  	s30 =	simm.s32 $0xDC00  }
0xb3: {  	[tilespmem:s30], [sflag:$0x1] =	stream.indirect_vreg.gather [hbm4b:s2+s19], $0x80, v5, vm0, $0xb8;
	[tilespmem:$0x12400] =	vst v63  }
0xb4: {  	v5 =	vld [tilespmem:$0xE0];
	_ =	sdelay $0x4  }
0xb5: {  	v6 =	vshll.u32 v5, $0x1  }
0xb6: {  	v5 =	vand.u32 $0x7, v5;
	v6 =	vand.u32 $0xFFFFFFF0, v6  }
0xb7: {  	v5 =	vor.u32 v5, v6  }
0xb8: {  	v6 =	vperm.xlane v5, v1;
	_ =	sdelay $0x1  }
0xb9: {  	v5 =	vperm.xlane v5, v3;
	v6 =	vadd.s32 v2, v6;
	_ =	sdelay $0x1  }
0xba: {  	v5 =	vadd.s32 v2, v5;
	_ =	sdelay $0x1  }
0xbb: {  	s0 =	simm.s32 $0xE400  }
0xbc: {  	[tilespmem:s0], [sflag:$0x1] =	stream.indirect_vreg.gather [hbm4b:s2+s19], $0x80, v6, vm0, $0xb8;
	[tilespmem:$0x12400] =	vst v63  }
0xbd: {  	s8 =	simm.s32 $0xEC00  }
0xbe: {  	[tilespmem:s8], [sflag:$0x1] =	stream.indirect_vreg.gather [hbm4b:s2+s19], $0x80, v5, vm0, $0xb8;
	[tilespmem:$0x12400] =	vst v63  }
0xbf: {  	v5 =	vld [tilespmem:$0xF0];
	_ =	sdelay $0x4  }
0xc0: {  	v6 =	vshll.u32 v5, $0x1  }
0xc1: {  	v5 =	vand.u32 $0x7, v5;
	v6 =	vand.u32 $0xFFFFFFF0, v6  }
0xc2: {  	v5 =	vor.u32 v5, v6  }
0xc3: {  	v6 =	vperm.xlane v5, v1;
	_ =	sdelay $0x1  }
0xc4: {  	v5 =	vperm.xlane v5, v3;
	v6 =	vadd.s32 v2, v6;
	_ =	sdelay $0x1  }
0xc5: {  	v5 =	vadd.s32 v2, v5;
	_ =	sdelay $0x1  }
0xc6: {  	s9 =	simm.s32 $0xF400  }
0xc7: {  	[tilespmem:s9], [sflag:$0x1] =	stream.indirect_vreg.gather [hbm4b:s2+s19], $0x80, v6, vm0, $0xb8;
	[tilespmem:$0x12400] =	vst v63  }
0xc8: {  	s10 =	simm.s32 $0xFC00  }
0xc9: {  	[tilespmem:s10], [sflag:$0x1] =	stream.indirect_vreg.gather [hbm4b:s2+s19], $0x80, v5, vm0, $0xb8;
	[tilespmem:$0x12400] =	vst v63  }
0xca: {  	_ =	swait.ge [sflag:s16], $0x10000  }
0xcb: {  	[sflag:s16] =	ssyncset.done $0x0  }
0xcc: {  	s13 =	rddreg [dreg:$0x5];
	[sflag:s16] =	ssyncadd.s32 $0xFFFF0000  }
0xcd: {  	[hbm4b:s13+s19] =	stream.linear.scatter [tilespmem:s26], [sflag:$0x2], $0x10000, $0x38;
	[tilespmem:$0x12400] =	vst v63  }
0xce: {  	_ =	swait.ge [sflag:s11], $0x10000  }
0xcf: {  	[sflag:s11] =	ssyncset.done $0x0  }
0xd0: {  	[sflag:s11] =	ssyncadd.s32 $0xFFFF0000  }
0xd1: {  	v5 =	vld [tilespmem:$0x100];
	_ =	sdelay $0x4  }
0xd2: {  	v6 =	vshll.u32 v5, $0x1  }
0xd3: {  	v5 =	vand.u32 $0x7, v5;
	v6 =	vand.u32 $0xFFFFFFF0, v6  }
0xd4: {  	v5 =	vor.u32 v5, v6  }
0xd5: {  	v6 =	vperm.xlane v5, v1;
	_ =	sdelay $0x1  }
0xd6: {  	v5 =	vperm.xlane v5, v3;
	v6 =	vadd.s32 v2, v6;
	_ =	sdelay $0x1  }
0xd7: {  	v5 =	vadd.s32 v2, v5;
	_ =	sdelay $0x2  }
0xd8: {  	[tilespmem:s26], [sflag:$0x1] =	stream.indirect_vreg.gather [hbm4b:s2+s19], $0x80, v6, vm0, $0xb8;
	[tilespmem:$0x12400] =	vst v63  }
0xd9: {  	s12 =	simm.s32 $0xC00  }
0xda: {  	[tilespmem:s12], [sflag:$0x1] =	stream.indirect_vreg.gather [hbm4b:s2+s19], $0x80, v5, vm0, $0xb8;
	[tilespmem:$0x12400] =	vst v63  }
0xdb: {  	v5 =	vld [tilespmem:$0x110];
	_ =	sdelay $0x4  }
0xdc: {  	v6 =	vshll.u32 v5, $0x1  }
0xdd: {  	v5 =	vand.u32 $0x7, v5;
	v6 =	vand.u32 $0xFFFFFFF0, v6  }
0xde: {  	v5 =	vor.u32 v5, v6  }
0xdf: {  	v6 =	vperm.xlane v5, v1;
	_ =	sdelay $0x1  }
0xe0: {  	v5 =	vperm.xlane v5, v3;
	v6 =	vadd.s32 v2, v6;
	_ =	sdelay $0x1  }
0xe1: {  	v5 =	vadd.s32 v2, v5;
	_ =	sdelay $0x1  }
0xe2: {  	s5 =	simm.s32 $0x1400  }
0xe3: {  	[tilespmem:s5], [sflag:$0x1] =	stream.indirect_vreg.gather [hbm4b:s2+s19], $0x80, v6, vm0, $0xb8;
	[tilespmem:$0x12400] =	vst v63  }
0xe4: {  	s24 =	simm.s32 $0x1C00  }
0xe5: {  	[tilespmem:s24], [sflag:$0x1] =	stream.indirect_vreg.gather [hbm4b:s2+s19], $0x80, v5, vm0, $0xb8;
	[tilespmem:$0x12400] =	vst v63  }
0xe6: {  	v5 =	vld [tilespmem:$0x120];
	_ =	sdelay $0x4  }
0xe7: {  	v6 =	vshll.u32 v5, $0x1  }
0xe8: {  	v5 =	vand.u32 $0x7, v5;
	v6 =	vand.u32 $0xFFFFFFF0, v6  }
0xe9: {  	v5 =	vor.u32 v5, v6  }
0xea: {  	v6 =	vperm.xlane v5, v1;
	_ =	sdelay $0x1  }
0xeb: {  	v5 =	vperm.xlane v5, v3;
	v6 =	vadd.s32 v2, v6;
	_ =	sdelay $0x1  }
0xec: {  	v5 =	vadd.s32 v2, v5;
	_ =	sdelay $0x1  }
0xed: {  	s6 =	simm.s32 $0x2400  }
0xee: {  	[tilespmem:s6], [sflag:$0x1] =	stream.indirect_vreg.gather [hbm4b:s2+s19], $0x80, v6, vm0, $0xb8;
	[tilespmem:$0x12400] =	vst v63  }
0xef: {  	s7 =	simm.s32 $0x2C00  }
0xf0: {  	[tilespmem:s7], [sflag:$0x1] =	stream.indirect_vreg.gather [hbm4b:s2+s19], $0x80, v5, vm0, $0xb8;
	[tilespmem:$0x12400] =	vst v63  }
0xf1: {  	v5 =	vld [tilespmem:$0x130];
	_ =	sdelay $0x4  }
0xf2: {  	v6 =	vshll.u32 v5, $0x1  }
0xf3: {  	v5 =	vand.u32 $0x7, v5;
	v6 =	vand.u32 $0xFFFFFFF0, v6  }
0xf4: {  	v5 =	vor.u32 v5, v6  }
0xf5: {  	v6 =	vperm.xlane v5, v1;
	_ =	sdelay $0x1  }
0xf6: {  	v5 =	vperm.xlane v5, v3;
	v6 =	vadd.s32 v2, v6;
	_ =	sdelay $0x1  }
0xf7: {  	v5 =	vadd.s32 v2, v5;
	_ =	sdelay $0x1  }
0xf8: {  	s7 =	simm.s32 $0x3400  }
0xf9: {  	[tilespmem:s7], [sflag:$0x1] =	stream.indirect_vreg.gather [hbm4b:s2+s19], $0x80, v6, vm0, $0xb8;
	[tilespmem:$0x12400] =	vst v63  }
0xfa: {  	s8 =	simm.s32 $0x3C00  }
0xfb: {  	[tilespmem:s8], [sflag:$0x1] =	stream.indirect_vreg.gather [hbm4b:s2+s19], $0x80, v5, vm0, $0xb8;
	[tilespmem:$0x12400] =	vst v63  }
0xfc: {  	v5 =	vld [tilespmem:$0x140];
	_ =	sdelay $0x4  }
0xfd: {  	v6 =	vshll.u32 v5, $0x1  }
0xfe: {  	v5 =	vand.u32 $0x7, v5;
	v6 =	vand.u32 $0xFFFFFFF0, v6  }
0xff: {  	v5 =	vor.u32 v5, v6  }
0x100: {  	v6 =	vperm.xlane v5, v1;
	_ =	sdelay $0x1  }
0x101: {  	v5 =	vperm.xlane v5, v3;
	v6 =	vadd.s32 v2, v6;
	_ =	sdelay $0x1  }
0x102: {  	v5 =	vadd.s32 v2, v5;
	_ =	sdelay $0x1  }
0x103: {  	s9 =	simm.s32 $0x4400  }
0x104: {  	[tilespmem:s9], [sflag:$0x1] =	stream.indirect_vreg.gather [hbm4b:s2+s19], $0x80, v6, vm0, $0xb8;
	[tilespmem:$0x12400] =	vst v63  }
0x105: {  	s10 =	simm.s32 $0x4C00  }
0x106: {  	[tilespmem:s10], [sflag:$0x1] =	stream.indirect_vreg.gather [hbm4b:s2+s19], $0x80, v5, vm0, $0xb8;
	[tilespmem:$0x12400] =	vst v63  }
0x107: {  	v5 =	vld [tilespmem:$0x150];
	_ =	sdelay $0x4  }
0x108: {  	v6 =	vshll.u32 v5, $0x1  }
0x109: {  	v5 =	vand.u32 $0x7, v5;
	v6 =	vand.u32 $0xFFFFFFF0, v6  }
0x10a: {  	v5 =	vor.u32 v5, v6  }
0x10b: {  	v6 =	vperm.xlane v5, v1;
	_ =	sdelay $0x1  }
0x10c: {  	v5 =	vperm.xlane v5, v3;
	v6 =	vadd.s32 v2, v6;
	_ =	sdelay $0x1  }
0x10d: {  	v5 =	vadd.s32 v2, v5;
	_ =	sdelay $0x1  }
0x10e: {  	s13 =	simm.s32 $0x5400  }
0x10f: {  	[tilespmem:s13], [sflag:$0x1] =	stream.indirect_vreg.gather [hbm4b:s2+s19], $0x80, v6, vm0, $0xb8;
	[tilespmem:$0x12400] =	vst v63  }
0x110: {  	s1 =	simm.s32 $0x5C00  }
0x111: {  	[tilespmem:s1], [sflag:$0x1] =	stream.indirect_vreg.gather [hbm4b:s2+s19], $0x80, v5, vm0, $0xb8;
	[tilespmem:$0x12400] =	vst v63  }
0x112: {  	v5 =	vld [tilespmem:$0x160];
	_ =	sdelay $0x4  }
0x113: {  	v6 =	vshll.u32 v5, $0x1  }
0x114: {  	v5 =	vand.u32 $0x7, v5;
	v6 =	vand.u32 $0xFFFFFFF0, v6  }
0x115: {  	v5 =	vor.u32 v5, v6  }
0x116: {  	v6 =	vperm.xlane v5, v1;
	_ =	sdelay $0x1  }
0x117: {  	v5 =	vperm.xlane v5, v3;
	v6 =	vadd.s32 v2, v6;
	_ =	sdelay $0x1  }
0x118: {  	v5 =	vadd.s32 v2, v5;
	_ =	sdelay $0x1  }
0x119: {  	s0 =	simm.s32 $0x6400  }
0x11a: {  	[tilespmem:s0], [sflag:$0x1] =	stream.indirect_vreg.gather [hbm4b:s2+s19], $0x80, v6, vm0, $0xb8;
	[tilespmem:$0x12400] =	vst v63  }
0x11b: {  	s3 =	simm.s32 $0x6C00  }
0x11c: {  	[tilespmem:s3], [sflag:$0x1] =	stream.indirect_vreg.gather [hbm4b:s2+s19], $0x80, v5, vm0, $0xb8;
	[tilespmem:$0x12400] =	vst v63  }
0x11d: {  	v5 =	vld [tilespmem:$0x170];
	_ =	sdelay $0x4  }
0x11e: {  	v6 =	vshll.u32 v5, $0x1  }
0x11f: {  	v5 =	vand.u32 $0x7, v5;
	v6 =	vand.u32 $0xFFFFFFF0, v6  }
0x120: {  	v5 =	vor.u32 v5, v6  }
0x121: {  	v6 =	vperm.xlane v5, v1;
	_ =	sdelay $0x1  }
0x122: {  	v5 =	vperm.xlane v5, v3;
	v6 =	vadd.s32 v2, v6;
	_ =	sdelay $0x1  }
0x123: {  	v5 =	vadd.s32 v2, v5;
	_ =	sdelay $0x1  }
0x124: {  	s1 =	simm.s32 $0x7400  }
0x125: {  	[tilespmem:s1], [sflag:$0x1] =	stream.indirect_vreg.gather [hbm4b:s2+s19], $0x80, v6, vm0, $0xb8;
	[tilespmem:$0x12400] =	vst v63  }
0x126: {  	s4 =	simm.s32 $0x7C00  }
0x127: {  	[tilespmem:s4], [sflag:$0x1] =	stream.indirect_vreg.gather [hbm4b:s2+s19], $0x80, v5, vm0, $0xb8;
	[tilespmem:$0x12400] =	vst v63  }
0x128: {  	v5 =	vld [tilespmem:$0x180];
	_ =	sdelay $0x4  }
0x129: {  	v6 =	vshll.u32 v5, $0x1  }
0x12a: {  	v5 =	vand.u32 $0x7, v5;
	v6 =	vand.u32 $0xFFFFFFF0, v6  }
0x12b: {  	v5 =	vor.u32 v5, v6  }
0x12c: {  	v6 =	vperm.xlane v5, v1;
	_ =	sdelay $0x1  }
0x12d: {  	v5 =	vperm.xlane v5, v3;
	v6 =	vadd.s32 v2, v6;
	_ =	sdelay $0x1  }
0x12e: {  	v5 =	vadd.s32 v2, v5;
	_ =	sdelay $0x1  }
0x12f: {  	s3 =	simm.s32 $0x8400  }
0x130: {  	[tilespmem:s3], [sflag:$0x1] =	stream.indirect_vreg.gather [hbm4b:s2+s19], $0x80, v6, vm0, $0xb8;
	[tilespmem:$0x12400] =	vst v63  }
0x131: {  	s5 =	simm.s32 $0x8C00  }
0x132: {  	[tilespmem:s5], [sflag:$0x1] =	stream.indirect_vreg.gather [hbm4b:s2+s19], $0x80, v5, vm0, $0xb8;
	[tilespmem:$0x12400] =	vst v63  }
0x133: {  	v5 =	vld [tilespmem:$0x190];
	_ =	sdelay $0x4  }
0x134: {  	v6 =	vshll.u32 v5, $0x1  }
0x135: {  	v5 =	vand.u32 $0x7, v5;
	v6 =	vand.u32 $0xFFFFFFF0, v6  }
0x136: {  	v5 =	vor.u32 v5, v6  }
0x137: {  	v6 =	vperm.xlane v5, v1;
	_ =	sdelay $0x1  }
0x138: {  	v5 =	vperm.xlane v5, v3;
	v6 =	vadd.s32 v2, v6;
	_ =	sdelay $0x1  }
0x139: {  	v5 =	vadd.s32 v2, v5;
	_ =	sdelay $0x1  }
0x13a: {  	s4 =	simm.s32 $0x9400  }
0x13b: {  	[tilespmem:s4], [sflag:$0x1] =	stream.indirect_vreg.gather [hbm4b:s2+s19], $0x80, v6, vm0, $0xb8;
	[tilespmem:$0x12400] =	vst v63  }
0x13c: {  	s6 =	simm.s32 $0x9C00  }
0x13d: {  	[tilespmem:s6], [sflag:$0x1] =	stream.indirect_vreg.gather [hbm4b:s2+s19], $0x80, v5, vm0, $0xb8;
	[tilespmem:$0x12400] =	vst v63  }
0x13e: {  	v5 =	vld [tilespmem:$0x1A0];
	_ =	sdelay $0x4  }
0x13f: {  	v6 =	vshll.u32 v5, $0x1  }
0x140: {  	v5 =	vand.u32 $0x7, v5;
	v6 =	vand.u32 $0xFFFFFFF0, v6  }
0x141: {  	v5 =	vor.u32 v5, v6  }
0x142: {  	v6 =	vperm.xlane v5, v1;
	_ =	sdelay $0x1  }
0x143: {  	v5 =	vperm.xlane v5, v3;
	v6 =	vadd.s32 v2, v6;
	_ =	sdelay $0x1  }
0x144: {  	v5 =	vadd.s32 v2, v5;
	_ =	sdelay $0x1  }
0x145: {  	s28 =	simm.s32 $0xA400  }
0x146: {  	[tilespmem:s28], [sflag:$0x1] =	stream.indirect_vreg.gather [hbm4b:s2+s19], $0x80, v6, vm0, $0xb8;
	[tilespmem:$0x12400] =	vst v63  }
0x147: {  	s12 =	simm.s32 $0xAC00  }
0x148: {  	[tilespmem:s12], [sflag:$0x1] =	stream.indirect_vreg.gather [hbm4b:s2+s19], $0x80, v5, vm0, $0xb8;
	[tilespmem:$0x12400] =	vst v63  }
0x149: {  	v5 =	vld [tilespmem:$0x1B0];
	_ =	sdelay $0x4  }
0x14a: {  	v6 =	vshll.u32 v5, $0x1  }
0x14b: {  	v5 =	vand.u32 $0x7, v5;
	v6 =	vand.u32 $0xFFFFFFF0, v6  }
0x14c: {  	v5 =	vor.u32 v5, v6  }
0x14d: {  	v6 =	vperm.xlane v5, v1;
	_ =	sdelay $0x1  }
0x14e: {  	v5 =	vperm.xlane v5, v3;
	v6 =	vadd.s32 v2, v6;
	_ =	sdelay $0x1  }
0x14f: {  	v5 =	vadd.s32 v2, v5;
	_ =	sdelay $0x1  }
0x150: {  	s29 =	simm.s32 $0xB400  }
0x151: {  	[tilespmem:s29], [sflag:$0x1] =	stream.indirect_vreg.gather [hbm4b:s2+s19], $0x80, v6, vm0, $0xb8;
	[tilespmem:$0x12400] =	vst v63  }
0x152: {  	s23 =	simm.s32 $0xBC00  }
0x153: {  	[tilespmem:s23], [sflag:$0x1] =	stream.indirect_vreg.gather [hbm4b:s2+s19], $0x80, v5, vm0, $0xb8;
	[tilespmem:$0x12400] =	vst v63  }
0x154: {  	v5 =	vld [tilespmem:$0x1C0];
	_ =	sdelay $0x4  }
0x155: {  	v6 =	vshll.u32 v5, $0x1  }
0x156: {  	v5 =	vand.u32 $0x7, v5;
	v6 =	vand.u32 $0xFFFFFFF0, v6  }
0x157: {  	v5 =	vor.u32 v5, v6  }
0x158: {  	v6 =	vperm.xlane v5, v1;
	_ =	sdelay $0x1  }
0x159: {  	v5 =	vperm.xlane v5, v3;
	v6 =	vadd.s32 v2, v6;
	_ =	sdelay $0x1  }
0x15a: {  	v5 =	vadd.s32 v2, v5;
	_ =	sdelay $0x1  }
0x15b: {  	s31 =	simm.s32 $0xC400  }
0x15c: {  	[tilespmem:s31], [sflag:$0x1] =	stream.indirect_vreg.gather [hbm4b:s2+s19], $0x80, v6, vm0, $0xb8;
	[tilespmem:$0x12400] =	vst v63  }
0x15d: {  	s21 =	simm.s32 $0xCC00  }
0x15e: {  	[tilespmem:s21], [sflag:$0x1] =	stream.indirect_vreg.gather [hbm4b:s2+s19], $0x80, v5, vm0, $0xb8;
	[tilespmem:$0x12400] =	vst v63  }
0x15f: {  	v5 =	vld [tilespmem:$0x1D0];
	_ =	sdelay $0x4  }
0x160: {  	v6 =	vshll.u32 v5, $0x1  }
0x161: {  	v5 =	vand.u32 $0x7, v5;
	v6 =	vand.u32 $0xFFFFFFF0, v6  }
0x162: {  	v5 =	vor.u32 v5, v6  }
0x163: {  	v6 =	vperm.xlane v5, v1;
	_ =	sdelay $0x1  }
0x164: {  	v5 =	vperm.xlane v5, v3;
	v6 =	vadd.s32 v2, v6;
	_ =	sdelay $0x1  }
0x165: {  	v5 =	vadd.s32 v2, v5;
	_ =	sdelay $0x1  }
0x166: {  	s25 =	simm.s32 $0xD400  }
0x167: {  	[tilespmem:s25], [sflag:$0x1] =	stream.indirect_vreg.gather [hbm4b:s2+s19], $0x80, v6, vm0, $0xb8;
	[tilespmem:$0x12400] =	vst v63  }
0x168: {  	s22 =	simm.s32 $0xDC00  }
0x169: {  	[tilespmem:s22], [sflag:$0x1] =	stream.indirect_vreg.gather [hbm4b:s2+s19], $0x80, v5, vm0, $0xb8;
	[tilespmem:$0x12400] =	vst v63  }
0x16a: {  	v5 =	vld [tilespmem:$0x1E0];
	_ =	sdelay $0x4  }
0x16b: {  	v6 =	vshll.u32 v5, $0x1  }
0x16c: {  	v5 =	vand.u32 $0x7, v5;
	v6 =	vand.u32 $0xFFFFFFF0, v6  }
0x16d: {  	v5 =	vor.u32 v5, v6  }
0x16e: {  	v6 =	vperm.xlane v5, v1;
	_ =	sdelay $0x1  }
0x16f: {  	v5 =	vperm.xlane v5, v3;
	v6 =	vadd.s32 v2, v6;
	_ =	sdelay $0x1  }
0x170: {  	v5 =	vadd.s32 v2, v5;
	_ =	sdelay $0x1  }
0x171: {  	s30 =	simm.s32 $0xE400  }
0x172: {  	[tilespmem:s30], [sflag:$0x1] =	stream.indirect_vreg.gather [hbm4b:s2+s19], $0x80, v6, vm0, $0xb8;
	[tilespmem:$0x12400] =	vst v63  }
0x173: {  	s14 =	simm.s32 $0xEC00  }
0x174: {  	[tilespmem:s14], [sflag:$0x1] =	stream.indirect_vreg.gather [hbm4b:s2+s19], $0x80, v5, vm0, $0xb8;
	[tilespmem:$0x12400] =	vst v63  }
0x175: {  	v5 =	vld [tilespmem:$0x1F0];
	_ =	sdelay $0x4  }
0x176: {  	v6 =	vshll.u32 v5, $0x1  }
0x177: {  	v5 =	vand.u32 $0x7, v5;
	v6 =	vand.u32 $0xFFFFFFF0, v6  }
0x178: {  	v5 =	vor.u32 v5, v6  }
0x179: {  	v6 =	vperm.xlane v5, v1;
	_ =	sdelay $0x1  }
0x17a: {  	v5 =	vperm.xlane v5, v3;
	v6 =	vadd.s32 v2, v6;
	_ =	sdelay $0x1  }
0x17b: {  	v5 =	vadd.s32 v2, v5;
	_ =	sdelay $0x1  }
0x17c: {  	s21 =	simm.s32 $0xF400  }
0x17d: {  	[tilespmem:s21], [sflag:$0x1] =	stream.indirect_vreg.gather [hbm4b:s2+s19], $0x80, v6, vm0, $0xb8;
	[tilespmem:$0x12400] =	vst v63  }
0x17e: {  	s15 =	simm.s32 $0xFC00  }
0x17f: {  	[tilespmem:s15], [sflag:$0x1] =	stream.indirect_vreg.gather [hbm4b:s2+s19], $0x80, v5, vm0, $0xb8;
	[tilespmem:$0x12400] =	vst v63  }
0x180: {  	_ =	swait.ge [sflag:s16], $0x10000  }
0x181: {  	[sflag:s16] =	ssyncset.done $0x0  }
0x182: {  	s15 =	rddreg [dreg:$0x6];
	[sflag:s16] =	ssyncadd.s32 $0xFFFF0000  }
0x183: {  	[hbm4b:s15+s19] =	stream.linear.scatter [tilespmem:s26], [sflag:$0x2], $0x10000, $0x38;
	[tilespmem:$0x12400] =	vst v63  }
0x184: {  	_ =	swait.ge [sflag:s11], $0x10000  }
0x185: {  	[sflag:s11] =	ssyncset.done $0x0  }
0x186: {  	[sflag:s11] =	ssyncadd.s32 $0xFFFF0000  }
0x187: {  	v5 =	vld [tilespmem:$0x200];
	_ =	sdelay $0x4  }
0x188: {  	v6 =	vshll.u32 v5, $0x1  }
0x189: {  	v5 =	vand.u32 $0x7, v5;
	v6 =	vand.u32 $0xFFFFFFF0, v6  }
0x18a: {  	v5 =	vor.u32 v5, v6  }
0x18b: {  	v6 =	vperm.xlane v5, v1;
	_ =	sdelay $0x1  }
0x18c: {  	v5 =	vperm.xlane v5, v3;
	v6 =	vadd.s32 v2, v6;
	_ =	sdelay $0x1  }
0x18d: {  	v5 =	vadd.s32 v2, v5;
	_ =	sdelay $0x2  }
0x18e: {  	[tilespmem:s26], [sflag:$0x1] =	stream.indirect_vreg.gather [hbm4b:s2+s19], $0x80, v6, vm0, $0xb8;
	[tilespmem:$0x12400] =	vst v63  }
0x18f: {  	s20 =	simm.s32 $0xC00  }
0x190: {  	[tilespmem:s20], [sflag:$0x1] =	stream.indirect_vreg.gather [hbm4b:s2+s19], $0x80, v5, vm0, $0xb8;
	[tilespmem:$0x12400] =	vst v63  }
0x191: {  	v5 =	vld [tilespmem:$0x210];
	_ =	sdelay $0x4  }
0x192: {  	v6 =	vshll.u32 v5, $0x1  }
0x193: {  	v5 =	vand.u32 $0x7, v5;
	v6 =	vand.u32 $0xFFFFFFF0, v6  }
0x194: {  	v5 =	vor.u32 v5, v6  }
0x195: {  	v6 =	vperm.xlane v5, v1;
	_ =	sdelay $0x1  }
0x196: {  	v5 =	vperm.xlane v5, v3;
	v6 =	vadd.s32 v2, v6;
	_ =	sdelay $0x1  }
0x197: {  	v5 =	vadd.s32 v2, v5;
	_ =	sdelay $0x1  }
0x198: {  	s21 =	simm.s32 $0x1400  }
0x199: {  	[tilespmem:s21], [sflag:$0x1] =	stream.indirect_vreg.gather [hbm4b:s2+s19], $0x80, v6, vm0, $0xb8;
	[tilespmem:$0x12400] =	vst v63  }
0x19a: {  	_ = 	snop  }
0x19b: {  	[tilespmem:s24], [sflag:$0x1] =	stream.indirect_vreg.gather [hbm4b:s2+s19], $0x80, v5, vm0, $0xb8;
	[tilespmem:$0x12400] =	vst v63  }
0x19c: {  	v5 =	vld [tilespmem:$0x220];
	_ =	sdelay $0x4  }
0x19d: {  	v6 =	vshll.u32 v5, $0x1  }
0x19e: {  	v5 =	vand.u32 $0x7, v5;
	v6 =	vand.u32 $0xFFFFFFF0, v6  }
0x19f: {  	v5 =	vor.u32 v5, v6  }
0x1a0: {  	v6 =	vperm.xlane v5, v1;
	_ =	sdelay $0x1  }
0x1a1: {  	v5 =	vperm.xlane v5, v3;
	v6 =	vadd.s32 v2, v6;
	_ =	sdelay $0x1  }
0x1a2: {  	v5 =	vadd.s32 v2, v5;
	_ =	sdelay $0x1  }
0x1a3: {  	s24 =	simm.s32 $0x2400  }
0x1a4: {  	[tilespmem:s24], [sflag:$0x1] =	stream.indirect_vreg.gather [hbm4b:s2+s19], $0x80, v6, vm0, $0xb8;
	[tilespmem:$0x12400] =	vst v63  }
0x1a5: {  	s15 =	simm.s32 $0x2C00  }
0x1a6: {  	[tilespmem:s15], [sflag:$0x1] =	stream.indirect_vreg.gather [hbm4b:s2+s19], $0x80, v5, vm0, $0xb8;
	[tilespmem:$0x12400] =	vst v63  }
0x1a7: {  	v5 =	vld [tilespmem:$0x230];
	_ =	sdelay $0x4  }
0x1a8: {  	v6 =	vshll.u32 v5, $0x1  }
0x1a9: {  	v5 =	vand.u32 $0x7, v5;
	v6 =	vand.u32 $0xFFFFFFF0, v6  }
0x1aa: {  	v5 =	vor.u32 v5, v6  }
0x1ab: {  	v6 =	vperm.xlane v5, v1;
	_ =	sdelay $0x1  }
0x1ac: {  	v5 =	vperm.xlane v5, v3;
	v6 =	vadd.s32 v2, v6;
	_ =	sdelay $0x1  }
0x1ad: {  	v5 =	vadd.s32 v2, v5;
	_ =	sdelay $0x2  }
0x1ae: {  	[tilespmem:s7], [sflag:$0x1] =	stream.indirect_vreg.gather [hbm4b:s2+s19], $0x80, v6, vm0, $0xb8;
	[tilespmem:$0x12400] =	vst v63  }
0x1af: {  	_ = 	snop  }
0x1b0: {  	[tilespmem:s8], [sflag:$0x1] =	stream.indirect_vreg.gather [hbm4b:s2+s19], $0x80, v5, vm0, $0xb8;
	[tilespmem:$0x12400] =	vst v63  }
0x1b1: {  	v5 =	vld [tilespmem:$0x240];
	_ =	sdelay $0x4  }
0x1b2: {  	v6 =	vshll.u32 v5, $0x1  }
0x1b3: {  	v5 =	vand.u32 $0x7, v5;
	v6 =	vand.u32 $0xFFFFFFF0, v6  }
0x1b4: {  	v5 =	vor.u32 v5, v6  }
0x1b5: {  	v6 =	vperm.xlane v5, v1;
	_ =	sdelay $0x1  }
0x1b6: {  	v5 =	vperm.xlane v5, v3;
	v6 =	vadd.s32 v2, v6;
	_ =	sdelay $0x1  }
0x1b7: {  	v5 =	vadd.s32 v2, v5;
	_ =	sdelay $0x2  }
0x1b8: {  	[tilespmem:s9], [sflag:$0x1] =	stream.indirect_vreg.gather [hbm4b:s2+s19], $0x80, v6, vm0, $0xb8;
	[tilespmem:$0x12400] =	vst v63  }
0x1b9: {  	_ = 	snop  }
0x1ba: {  	[tilespmem:s10], [sflag:$0x1] =	stream.indirect_vreg.gather [hbm4b:s2+s19], $0x80, v5, vm0, $0xb8;
	[tilespmem:$0x12400] =	vst v63  }
0x1bb: {  	v5 =	vld [tilespmem:$0x250];
	_ =	sdelay $0x4  }
0x1bc: {  	v6 =	vshll.u32 v5, $0x1  }
0x1bd: {  	v5 =	vand.u32 $0x7, v5;
	v6 =	vand.u32 $0xFFFFFFF0, v6  }
0x1be: {  	v5 =	vor.u32 v5, v6  }
0x1bf: {  	v6 =	vperm.xlane v5, v1;
	_ =	sdelay $0x1  }
0x1c0: {  	v5 =	vperm.xlane v5, v3;
	v6 =	vadd.s32 v2, v6;
	_ =	sdelay $0x1  }
0x1c1: {  	v5 =	vadd.s32 v2, v5;
	_ =	sdelay $0x2  }
0x1c2: {  	[tilespmem:s13], [sflag:$0x1] =	stream.indirect_vreg.gather [hbm4b:s2+s19], $0x80, v6, vm0, $0xb8;
	[tilespmem:$0x12400] =	vst v63  }
0x1c3: {  	s20 =	simm.s32 $0x5C00  }
0x1c4: {  	[tilespmem:s20], [sflag:$0x1] =	stream.indirect_vreg.gather [hbm4b:s2+s19], $0x80, v5, vm0, $0xb8;
	[tilespmem:$0x12400] =	vst v63  }
0x1c5: {  	v5 =	vld [tilespmem:$0x260];
	_ =	sdelay $0x4  }
0x1c6: {  	v6 =	vshll.u32 v5, $0x1  }
0x1c7: {  	v5 =	vand.u32 $0x7, v5;
	v6 =	vand.u32 $0xFFFFFFF0, v6  }
0x1c8: {  	v5 =	vor.u32 v5, v6  }
0x1c9: {  	v6 =	vperm.xlane v5, v1;
	_ =	sdelay $0x1  }
0x1ca: {  	v5 =	vperm.xlane v5, v3;
	v6 =	vadd.s32 v2, v6;
	_ =	sdelay $0x1  }
0x1cb: {  	v5 =	vadd.s32 v2, v5;
	_ =	sdelay $0x2  }
0x1cc: {  	[tilespmem:s0], [sflag:$0x1] =	stream.indirect_vreg.gather [hbm4b:s2+s19], $0x80, v6, vm0, $0xb8;
	[tilespmem:$0x12400] =	vst v63  }
0x1cd: {  	s24 =	simm.s32 $0x6C00  }
0x1ce: {  	[tilespmem:s24], [sflag:$0x1] =	stream.indirect_vreg.gather [hbm4b:s2+s19], $0x80, v5, vm0, $0xb8;
	[tilespmem:$0x12400] =	vst v63  }
0x1cf: {  	v5 =	vld [tilespmem:$0x270];
	_ =	sdelay $0x4  }
0x1d0: {  	v6 =	vshll.u32 v5, $0x1  }
0x1d1: {  	v5 =	vand.u32 $0x7, v5;
	v6 =	vand.u32 $0xFFFFFFF0, v6  }
0x1d2: {  	v5 =	vor.u32 v5, v6  }
0x1d3: {  	v6 =	vperm.xlane v5, v1;
	_ =	sdelay $0x1  }
0x1d4: {  	v5 =	vperm.xlane v5, v3;
	v6 =	vadd.s32 v2, v6;
	_ =	sdelay $0x1  }
0x1d5: {  	v5 =	vadd.s32 v2, v5;
	_ =	sdelay $0x2  }
0x1d6: {  	[tilespmem:s1], [sflag:$0x1] =	stream.indirect_vreg.gather [hbm4b:s2+s19], $0x80, v6, vm0, $0xb8;
	[tilespmem:$0x12400] =	vst v63  }
0x1d7: {  	s15 =	simm.s32 $0x7C00  }
0x1d8: {  	[tilespmem:s15], [sflag:$0x1] =	stream.indirect_vreg.gather [hbm4b:s2+s19], $0x80, v5, vm0, $0xb8;
	[tilespmem:$0x12400] =	vst v63  }
0x1d9: {  	v5 =	vld [tilespmem:$0x280];
	_ =	sdelay $0x4  }
0x1da: {  	v6 =	vshll.u32 v5, $0x1  }
0x1db: {  	v5 =	vand.u32 $0x7, v5;
	v6 =	vand.u32 $0xFFFFFFF0, v6  }
0x1dc: {  	v5 =	vor.u32 v5, v6  }
0x1dd: {  	v6 =	vperm.xlane v5, v1;
	_ =	sdelay $0x1  }
0x1de: {  	v5 =	vperm.xlane v5, v3;
	v6 =	vadd.s32 v2, v6;
	_ =	sdelay $0x1  }
0x1df: {  	v5 =	vadd.s32 v2, v5;
	_ =	sdelay $0x2  }
0x1e0: {  	[tilespmem:s3], [sflag:$0x1] =	stream.indirect_vreg.gather [hbm4b:s2+s19], $0x80, v6, vm0, $0xb8;
	[tilespmem:$0x12400] =	vst v63  }
0x1e1: {  	_ = 	snop  }
0x1e2: {  	[tilespmem:s5], [sflag:$0x1] =	stream.indirect_vreg.gather [hbm4b:s2+s19], $0x80, v5, vm0, $0xb8;
	[tilespmem:$0x12400] =	vst v63  }
0x1e3: {  	v5 =	vld [tilespmem:$0x290];
	_ =	sdelay $0x4  }
0x1e4: {  	v6 =	vshll.u32 v5, $0x1  }
0x1e5: {  	v5 =	vand.u32 $0x7, v5;
	v6 =	vand.u32 $0xFFFFFFF0, v6  }
0x1e6: {  	v5 =	vor.u32 v5, v6  }
0x1e7: {  	v6 =	vperm.xlane v5, v1;
	_ =	sdelay $0x1  }
0x1e8: {  	v5 =	vperm.xlane v5, v3;
	v6 =	vadd.s32 v2, v6;
	_ =	sdelay $0x1  }
0x1e9: {  	v5 =	vadd.s32 v2, v5;
	_ =	sdelay $0x2  }
0x1ea: {  	[tilespmem:s4], [sflag:$0x1] =	stream.indirect_vreg.gather [hbm4b:s2+s19], $0x80, v6, vm0, $0xb8;
	[tilespmem:$0x12400] =	vst v63  }
0x1eb: {  	_ = 	snop  }
0x1ec: {  	[tilespmem:s6], [sflag:$0x1] =	stream.indirect_vreg.gather [hbm4b:s2+s19], $0x80, v5, vm0, $0xb8;
	[tilespmem:$0x12400] =	vst v63  }
0x1ed: {  	v5 =	vld [tilespmem:$0x2A0];
	_ =	sdelay $0x4  }
0x1ee: {  	v6 =	vshll.u32 v5, $0x1  }
0x1ef: {  	v5 =	vand.u32 $0x7, v5;
	v6 =	vand.u32 $0xFFFFFFF0, v6  }
0x1f0: {  	v5 =	vor.u32 v5, v6  }
0x1f1: {  	v6 =	vperm.xlane v5, v1;
	_ =	sdelay $0x1  }
0x1f2: {  	v5 =	vperm.xlane v5, v3;
	v6 =	vadd.s32 v2, v6;
	_ =	sdelay $0x1  }
0x1f3: {  	v5 =	vadd.s32 v2, v5;
	_ =	sdelay $0x1  }
0x1f4: {  	s28 =	simm.s32 $0xA400  }
0x1f5: {  	[tilespmem:s28], [sflag:$0x1] =	stream.indirect_vreg.gather [hbm4b:s2+s19], $0x80, v6, vm0, $0xb8;
	[tilespmem:$0x12400] =	vst v63  }
0x1f6: {  	_ = 	snop  }
0x1f7: {  	[tilespmem:s12], [sflag:$0x1] =	stream.indirect_vreg.gather [hbm4b:s2+s19], $0x80, v5, vm0, $0xb8;
	[tilespmem:$0x12400] =	vst v63  }
0x1f8: {  	v5 =	vld [tilespmem:$0x2B0];
	_ =	sdelay $0x4  }
0x1f9: {  	v6 =	vshll.u32 v5, $0x1  }
0x1fa: {  	v5 =	vand.u32 $0x7, v5;
	v6 =	vand.u32 $0xFFFFFFF0, v6  }
0x1fb: {  	v5 =	vor.u32 v5, v6  }
0x1fc: {  	v6 =	vperm.xlane v5, v1;
	_ =	sdelay $0x1  }
0x1fd: {  	v5 =	vperm.xlane v5, v3;
	v6 =	vadd.s32 v2, v6;
	_ =	sdelay $0x1  }
0x1fe: {  	v5 =	vadd.s32 v2, v5;
	_ =	sdelay $0x1  }
0x1ff: {  	s20 =	simm.s32 $0xB400  }
0x200: {  	[tilespmem:s20], [sflag:$0x1] =	stream.indirect_vreg.gather [hbm4b:s2+s19], $0x80, v6, vm0, $0xb8;
	[tilespmem:$0x12400] =	vst v63  }
0x201: {  	s28 =	simm.s32 $0xBC00  }
0x202: {  	[tilespmem:s28], [sflag:$0x1] =	stream.indirect_vreg.gather [hbm4b:s2+s19], $0x80, v5, vm0, $0xb8;
	[tilespmem:$0x12400] =	vst v63  }
0x203: {  	v5 =	vld [tilespmem:$0x2C0];
	_ =	sdelay $0x4  }
0x204: {  	v6 =	vshll.u32 v5, $0x1  }
0x205: {  	v5 =	vand.u32 $0x7, v5;
	v6 =	vand.u32 $0xFFFFFFF0, v6  }
0x206: {  	v5 =	vor.u32 v5, v6  }
0x207: {  	v6 =	vperm.xlane v5, v1;
	_ =	sdelay $0x1  }
0x208: {  	v5 =	vperm.xlane v5, v3;
	v6 =	vadd.s32 v2, v6;
	_ =	sdelay $0x1  }
0x209: {  	v5 =	vadd.s32 v2, v5;
	_ =	sdelay $0x1  }
0x20a: {  	s23 =	simm.s32 $0xC400  }
0x20b: {  	[tilespmem:s23], [sflag:$0x1] =	stream.indirect_vreg.gather [hbm4b:s2+s19], $0x80, v6, vm0, $0xb8;
	[tilespmem:$0x12400] =	vst v63  }
0x20c: {  	s29 =	simm.s32 $0xCC00  }
0x20d: {  	[tilespmem:s29], [sflag:$0x1] =	stream.indirect_vreg.gather [hbm4b:s2+s19], $0x80, v5, vm0, $0xb8;
	[tilespmem:$0x12400] =	vst v63  }
0x20e: {  	v5 =	vld [tilespmem:$0x2D0];
	_ =	sdelay $0x4  }
0x20f: {  	v6 =	vshll.u32 v5, $0x1  }
0x210: {  	v5 =	vand.u32 $0x7, v5;
	v6 =	vand.u32 $0xFFFFFFF0, v6  }
0x211: {  	v5 =	vor.u32 v5, v6  }
0x212: {  	v6 =	vperm.xlane v5, v1;
	_ =	sdelay $0x1  }
0x213: {  	v5 =	vperm.xlane v5, v3;
	v6 =	vadd.s32 v2, v6;
	_ =	sdelay $0x1  }
0x214: {  	v5 =	vadd.s32 v2, v5;
	_ =	sdelay $0x1  }
0x215: {  	s25 =	simm.s32 $0xD400  }
0x216: {  	[tilespmem:s25], [sflag:$0x1] =	stream.indirect_vreg.gather [hbm4b:s2+s19], $0x80, v6, vm0, $0xb8;
	[tilespmem:$0x12400] =	vst v63  }
0x217: {  	s22 =	simm.s32 $0xDC00  }
0x218: {  	[tilespmem:s22], [sflag:$0x1] =	stream.indirect_vreg.gather [hbm4b:s2+s19], $0x80, v5, vm0, $0xb8;
	[tilespmem:$0x12400] =	vst v63  }
0x219: {  	v5 =	vld [tilespmem:$0x2E0];
	_ =	sdelay $0x4  }
0x21a: {  	v6 =	vshll.u32 v5, $0x1  }
0x21b: {  	v5 =	vand.u32 $0x7, v5;
	v6 =	vand.u32 $0xFFFFFFF0, v6  }
0x21c: {  	v5 =	vor.u32 v5, v6  }
0x21d: {  	v6 =	vperm.xlane v5, v1;
	_ =	sdelay $0x1  }
0x21e: {  	v5 =	vperm.xlane v5, v3;
	v6 =	vadd.s32 v2, v6;
	_ =	sdelay $0x1  }
0x21f: {  	v5 =	vadd.s32 v2, v5;
	_ =	sdelay $0x1  }
0x220: {  	s31 =	simm.s32 $0xE400  }
0x221: {  	[tilespmem:s31], [sflag:$0x1] =	stream.indirect_vreg.gather [hbm4b:s2+s19], $0x80, v6, vm0, $0xb8;
	[tilespmem:$0x12400] =	vst v63  }
0x222: {  	s30 =	simm.s32 $0xEC00  }
0x223: {  	[tilespmem:s30], [sflag:$0x1] =	stream.indirect_vreg.gather [hbm4b:s2+s19], $0x80, v5, vm0, $0xb8;
	[tilespmem:$0x12400] =	vst v63  }
0x224: {  	v5 =	vld [tilespmem:$0x2F0];
	_ =	sdelay $0x4  }
0x225: {  	v6 =	vshll.u32 v5, $0x1  }
0x226: {  	v5 =	vand.u32 $0x7, v5;
	v6 =	vand.u32 $0xFFFFFFF0, v6  }
0x227: {  	v5 =	vor.u32 v5, v6  }
0x228: {  	v6 =	vperm.xlane v5, v1;
	_ =	sdelay $0x1  }
0x229: {  	v5 =	vperm.xlane v5, v3;
	v6 =	vadd.s32 v2, v6;
	_ =	sdelay $0x1  }
0x22a: {  	v5 =	vadd.s32 v2, v5;
	_ =	sdelay $0x1  }
0x22b: {  	s29 =	simm.s32 $0xF400  }
0x22c: {  	[tilespmem:s29], [sflag:$0x1] =	stream.indirect_vreg.gather [hbm4b:s2+s19], $0x80, v6, vm0, $0xb8;
	[tilespmem:$0x12400] =	vst v63  }
0x22d: {  	s30 =	simm.s32 $0xFC00  }
0x22e: {  	[tilespmem:s30], [sflag:$0x1] =	stream.indirect_vreg.gather [hbm4b:s2+s19], $0x80, v5, vm0, $0xb8;
	[tilespmem:$0x12400] =	vst v63  }
0x22f: {  	_ =	swait.ge [sflag:s16], $0x10000  }
0x230: {  	[sflag:s16] =	ssyncset.done $0x0  }
0x231: {  	s31 =	rddreg [dreg:$0x7];
	[sflag:s16] =	ssyncadd.s32 $0xFFFF0000  }
0x232: {  	[hbm4b:s31+s19] =	stream.linear.scatter [tilespmem:s26], [sflag:$0x2], $0x10000, $0x38;
	[tilespmem:$0x12400] =	vst v63  }
0x233: {  	_ =	swait.ge [sflag:s11], $0x10000  }
0x234: {  	[sflag:s11] =	ssyncset.done $0x0  }
0x235: {  	[sflag:s11] =	ssyncadd.s32 $0xFFFF0000  }
0x236: {  	v5 =	vld [tilespmem:$0x300];
	_ =	sdelay $0x4  }
0x237: {  	v6 =	vshll.u32 v5, $0x1  }
0x238: {  	v5 =	vand.u32 $0x7, v5;
	v6 =	vand.u32 $0xFFFFFFF0, v6  }
0x239: {  	v5 =	vor.u32 v5, v6  }
0x23a: {  	v6 =	vperm.xlane v5, v1;
	_ =	sdelay $0x1  }
0x23b: {  	v5 =	vperm.xlane v5, v3;
	v6 =	vadd.s32 v2, v6;
	_ =	sdelay $0x1  }
0x23c: {  	v5 =	vadd.s32 v2, v5;
	_ =	sdelay $0x2  }
0x23d: {  	[tilespmem:s26], [sflag:$0x1] =	stream.indirect_vreg.gather [hbm4b:s2+s19], $0x80, v6, vm0, $0xb8;
	[tilespmem:$0x12400] =	vst v63  }
0x23e: {  	s31 =	simm.s32 $0xC00  }
0x23f: {  	[tilespmem:s31], [sflag:$0x1] =	stream.indirect_vreg.gather [hbm4b:s2+s19], $0x80, v5, vm0, $0xb8;
	[tilespmem:$0x12400] =	vst v63  }
0x240: {  	v5 =	vld [tilespmem:$0x310];
	_ =	sdelay $0x4  }
0x241: {  	v6 =	vshll.u32 v5, $0x1  }
0x242: {  	v5 =	vand.u32 $0x7, v5;
	v6 =	vand.u32 $0xFFFFFFF0, v6  }
0x243: {  	v5 =	vor.u32 v5, v6  }
0x244: {  	v6 =	vperm.xlane v5, v1;
	_ =	sdelay $0x1  }
0x245: {  	v5 =	vperm.xlane v5, v3;
	v6 =	vadd.s32 v2, v6;
	_ =	sdelay $0x1  }
0x246: {  	v5 =	vadd.s32 v2, v5;
	_ =	sdelay $0x1  }
0x247: {  	s31 =	simm.s32 $0x1400  }
0x248: {  	[tilespmem:s31], [sflag:$0x1] =	stream.indirect_vreg.gather [hbm4b:s2+s19], $0x80, v6, vm0, $0xb8;
	[tilespmem:$0x12400] =	vst v63  }
0x249: {  	s21 =	simm.s32 $0x1C00  }
0x24a: {  	[tilespmem:s21], [sflag:$0x1] =	stream.indirect_vreg.gather [hbm4b:s2+s19], $0x80, v5, vm0, $0xb8;
	[tilespmem:$0x12400] =	vst v63  }
0x24b: {  	v5 =	vld [tilespmem:$0x320];
	_ =	sdelay $0x4  }
0x24c: {  	v6 =	vshll.u32 v5, $0x1  }
0x24d: {  	v5 =	vand.u32 $0x7, v5;
	v6 =	vand.u32 $0xFFFFFFF0, v6  }
0x24e: {  	v5 =	vor.u32 v5, v6  }
0x24f: {  	v6 =	vperm.xlane v5, v1;
	_ =	sdelay $0x1  }
0x250: {  	v5 =	vperm.xlane v5, v3;
	v6 =	vadd.s32 v2, v6;
	_ =	sdelay $0x1  }
0x251: {  	v5 =	vadd.s32 v2, v5;
	_ =	sdelay $0x1  }
0x252: {  	s21 =	simm.s32 $0x2400  }
0x253: {  	[tilespmem:s21], [sflag:$0x1] =	stream.indirect_vreg.gather [hbm4b:s2+s19], $0x80, v6, vm0, $0xb8;
	[tilespmem:$0x12400] =	vst v63  }
0x254: {  	s31 =	simm.s32 $0x2C00  }
0x255: {  	[tilespmem:s31], [sflag:$0x1] =	stream.indirect_vreg.gather [hbm4b:s2+s19], $0x80, v5, vm0, $0xb8;
	[tilespmem:$0x12400] =	vst v63  }
0x256: {  	v5 =	vld [tilespmem:$0x330];
	_ =	sdelay $0x4  }
0x257: {  	v6 =	vshll.u32 v5, $0x1  }
0x258: {  	v5 =	vand.u32 $0x7, v5;
	v6 =	vand.u32 $0xFFFFFFF0, v6  }
0x259: {  	v5 =	vor.u32 v5, v6  }
0x25a: {  	v6 =	vperm.xlane v5, v1;
	_ =	sdelay $0x1  }
0x25b: {  	v5 =	vperm.xlane v5, v3;
	v6 =	vadd.s32 v2, v6;
	_ =	sdelay $0x1  }
0x25c: {  	v5 =	vadd.s32 v2, v5;
	_ =	sdelay $0x1  }
0x25d: {  	s7 =	simm.s32 $0x3400  }
0x25e: {  	[tilespmem:s7], [sflag:$0x1] =	stream.indirect_vreg.gather [hbm4b:s2+s19], $0x80, v6, vm0, $0xb8;
	[tilespmem:$0x12400] =	vst v63  }
0x25f: {  	s14 =	simm.s32 $0x3C00  }
0x260: {  	[tilespmem:s14], [sflag:$0x1] =	stream.indirect_vreg.gather [hbm4b:s2+s19], $0x80, v5, vm0, $0xb8;
	[tilespmem:$0x12400] =	vst v63  }
0x261: {  	v5 =	vld [tilespmem:$0x340];
	_ =	sdelay $0x4  }
0x262: {  	v6 =	vshll.u32 v5, $0x1  }
0x263: {  	v5 =	vand.u32 $0x7, v5;
	v6 =	vand.u32 $0xFFFFFFF0, v6  }
0x264: {  	v5 =	vor.u32 v5, v6  }
0x265: {  	v6 =	vperm.xlane v5, v1;
	_ =	sdelay $0x1  }
0x266: {  	v5 =	vperm.xlane v5, v3;
	v6 =	vadd.s32 v2, v6;
	_ =	sdelay $0x1  }
0x267: {  	v5 =	vadd.s32 v2, v5;
	_ =	sdelay $0x1  }
0x268: {  	s9 =	simm.s32 $0x4400  }
0x269: {  	[tilespmem:s9], [sflag:$0x1] =	stream.indirect_vreg.gather [hbm4b:s2+s19], $0x80, v6, vm0, $0xb8;
	[tilespmem:$0x12400] =	vst v63  }
0x26a: {  	s10 =	simm.s32 $0x4C00  }
0x26b: {  	[tilespmem:s10], [sflag:$0x1] =	stream.indirect_vreg.gather [hbm4b:s2+s19], $0x80, v5, vm0, $0xb8;
	[tilespmem:$0x12400] =	vst v63  }
0x26c: {  	v5 =	vld [tilespmem:$0x350];
	_ =	sdelay $0x4  }
0x26d: {  	v6 =	vshll.u32 v5, $0x1  }
0x26e: {  	v5 =	vand.u32 $0x7, v5;
	v6 =	vand.u32 $0xFFFFFFF0, v6  }
0x26f: {  	v5 =	vor.u32 v5, v6  }
0x270: {  	v6 =	vperm.xlane v5, v1;
	_ =	sdelay $0x1  }
0x271: {  	v5 =	vperm.xlane v5, v3;
	v6 =	vadd.s32 v2, v6;
	_ =	sdelay $0x1  }
0x272: {  	v5 =	vadd.s32 v2, v5;
	_ =	sdelay $0x1  }
0x273: {  	s13 =	simm.s32 $0x5400  }
0x274: {  	[tilespmem:s13], [sflag:$0x1] =	stream.indirect_vreg.gather [hbm4b:s2+s19], $0x80, v6, vm0, $0xb8;
	[tilespmem:$0x12400] =	vst v63  }
0x275: {  	s13 =	simm.s32 $0x5C00  }
0x276: {  	[tilespmem:s13], [sflag:$0x1] =	stream.indirect_vreg.gather [hbm4b:s2+s19], $0x80, v5, vm0, $0xb8;
	[tilespmem:$0x12400] =	vst v63  }
0x277: {  	v5 =	vld [tilespmem:$0x360];
	_ =	sdelay $0x4  }
0x278: {  	v6 =	vshll.u32 v5, $0x1  }
0x279: {  	v5 =	vand.u32 $0x7, v5;
	v6 =	vand.u32 $0xFFFFFFF0, v6  }
0x27a: {  	v5 =	vor.u32 v5, v6  }
0x27b: {  	v6 =	vperm.xlane v5, v1;
	_ =	sdelay $0x1  }
0x27c: {  	v5 =	vperm.xlane v5, v3;
	v6 =	vadd.s32 v2, v6;
	_ =	sdelay $0x1  }
0x27d: {  	v5 =	vadd.s32 v2, v5;
	_ =	sdelay $0x1  }
0x27e: {  	s0 =	simm.s32 $0x6400  }
0x27f: {  	[tilespmem:s0], [sflag:$0x1] =	stream.indirect_vreg.gather [hbm4b:s2+s19], $0x80, v6, vm0, $0xb8;
	[tilespmem:$0x12400] =	vst v63  }
0x280: {  	s14 =	simm.s32 $0x6C00  }
0x281: {  	[tilespmem:s14], [sflag:$0x1] =	stream.indirect_vreg.gather [hbm4b:s2+s19], $0x80, v5, vm0, $0xb8;
	[tilespmem:$0x12400] =	vst v63  }
0x282: {  	v5 =	vld [tilespmem:$0x370];
	_ =	sdelay $0x4  }
0x283: {  	v6 =	vshll.u32 v5, $0x1  }
0x284: {  	v5 =	vand.u32 $0x7, v5;
	v6 =	vand.u32 $0xFFFFFFF0, v6  }
0x285: {  	v5 =	vor.u32 v5, v6  }
0x286: {  	v6 =	vperm.xlane v5, v1;
	_ =	sdelay $0x1  }
0x287: {  	v5 =	vperm.xlane v5, v3;
	v6 =	vadd.s32 v2, v6;
	_ =	sdelay $0x1  }
0x288: {  	v5 =	vadd.s32 v2, v5;
	_ =	sdelay $0x1  }
0x289: {  	s1 =	simm.s32 $0x7400  }
0x28a: {  	[tilespmem:s1], [sflag:$0x1] =	stream.indirect_vreg.gather [hbm4b:s2+s19], $0x80, v6, vm0, $0xb8;
	[tilespmem:$0x12400] =	vst v63  }
0x28b: {  	s20 =	simm.s32 $0x7C00  }
0x28c: {  	[tilespmem:s20], [sflag:$0x1] =	stream.indirect_vreg.gather [hbm4b:s2+s19], $0x80, v5, vm0, $0xb8;
	[tilespmem:$0x12400] =	vst v63  }
0x28d: {  	v5 =	vld [tilespmem:$0x380];
	_ =	sdelay $0x4  }
0x28e: {  	v6 =	vshll.u32 v5, $0x1  }
0x28f: {  	v5 =	vand.u32 $0x7, v5;
	v6 =	vand.u32 $0xFFFFFFF0, v6  }
0x290: {  	v5 =	vor.u32 v5, v6  }
0x291: {  	v6 =	vperm.xlane v5, v1;
	_ =	sdelay $0x1  }
0x292: {  	v5 =	vperm.xlane v5, v3;
	v6 =	vadd.s32 v2, v6;
	_ =	sdelay $0x1  }
0x293: {  	v5 =	vadd.s32 v2, v5;
	_ =	sdelay $0x1  }
0x294: {  	s3 =	simm.s32 $0x8400  }
0x295: {  	[tilespmem:s3], [sflag:$0x1] =	stream.indirect_vreg.gather [hbm4b:s2+s19], $0x80, v6, vm0, $0xb8;
	[tilespmem:$0x12400] =	vst v63  }
0x296: {  	s5 =	simm.s32 $0x8C00  }
0x297: {  	[tilespmem:s5], [sflag:$0x1] =	stream.indirect_vreg.gather [hbm4b:s2+s19], $0x80, v5, vm0, $0xb8;
	[tilespmem:$0x12400] =	vst v63  }
0x298: {  	v5 =	vld [tilespmem:$0x390];
	_ =	sdelay $0x4  }
0x299: {  	v6 =	vshll.u32 v5, $0x1  }
0x29a: {  	v5 =	vand.u32 $0x7, v5;
	v6 =	vand.u32 $0xFFFFFFF0, v6  }
0x29b: {  	v5 =	vor.u32 v5, v6  }
0x29c: {  	v6 =	vperm.xlane v5, v1;
	_ =	sdelay $0x1  }
0x29d: {  	v5 =	vperm.xlane v5, v3;
	v6 =	vadd.s32 v2, v6;
	_ =	sdelay $0x1  }
0x29e: {  	v5 =	vadd.s32 v2, v5;
	_ =	sdelay $0x1  }
0x29f: {  	s4 =	simm.s32 $0x9400  }
0x2a0: {  	[tilespmem:s4], [sflag:$0x1] =	stream.indirect_vreg.gather [hbm4b:s2+s19], $0x80, v6, vm0, $0xb8;
	[tilespmem:$0x12400] =	vst v63  }
0x2a1: {  	s6 =	simm.s32 $0x9C00  }
0x2a2: {  	[tilespmem:s6], [sflag:$0x1] =	stream.indirect_vreg.gather [hbm4b:s2+s19], $0x80, v5, vm0, $0xb8;
	[tilespmem:$0x12400] =	vst v63  }
0x2a3: {  	v5 =	vld [tilespmem:$0x3A0];
	_ =	sdelay $0x4  }
0x2a4: {  	v6 =	vshll.u32 v5, $0x1  }
0x2a5: {  	v5 =	vand.u32 $0x7, v5;
	v6 =	vand.u32 $0xFFFFFFF0, v6  }
0x2a6: {  	v5 =	vor.u32 v5, v6  }
0x2a7: {  	v6 =	vperm.xlane v5, v1;
	_ =	sdelay $0x1  }
0x2a8: {  	v5 =	vperm.xlane v5, v3;
	v6 =	vadd.s32 v2, v6;
	_ =	sdelay $0x1  }
0x2a9: {  	v5 =	vadd.s32 v2, v5;
	_ =	sdelay $0x1  }
0x2aa: {  	s24 =	simm.s32 $0xA400  }
0x2ab: {  	[tilespmem:s24], [sflag:$0x1] =	stream.indirect_vreg.gather [hbm4b:s2+s19], $0x80, v6, vm0, $0xb8;
	[tilespmem:$0x12400] =	vst v63  }
0x2ac: {  	s8 =	simm.s32 $0xAC00  }
0x2ad: {  	[tilespmem:s8], [sflag:$0x1] =	stream.indirect_vreg.gather [hbm4b:s2+s19], $0x80, v5, vm0, $0xb8;
	[tilespmem:$0x12400] =	vst v63  }
0x2ae: {  	v5 =	vld [tilespmem:$0x3B0];
	_ =	sdelay $0x4  }
0x2af: {  	v6 =	vshll.u32 v5, $0x1  }
0x2b0: {  	v5 =	vand.u32 $0x7, v5;
	v6 =	vand.u32 $0xFFFFFFF0, v6  }
0x2b1: {  	v5 =	vor.u32 v5, v6  }
0x2b2: {  	v6 =	vperm.xlane v5, v1;
	_ =	sdelay $0x1  }
0x2b3: {  	v5 =	vperm.xlane v5, v3;
	v6 =	vadd.s32 v2, v6;
	_ =	sdelay $0x1  }
0x2b4: {  	v5 =	vadd.s32 v2, v5;
	_ =	sdelay $0x1  }
0x2b5: {  	s21 =	simm.s32 $0xB400  }
0x2b6: {  	[tilespmem:s21], [sflag:$0x1] =	stream.indirect_vreg.gather [hbm4b:s2+s19], $0x80, v6, vm0, $0xb8;
	[tilespmem:$0x12400] =	vst v63  }
0x2b7: {  	s24 =	simm.s32 $0xBC00  }
0x2b8: {  	[tilespmem:s24], [sflag:$0x1] =	stream.indirect_vreg.gather [hbm4b:s2+s19], $0x80, v5, vm0, $0xb8;
	[tilespmem:$0x12400] =	vst v63  }
0x2b9: {  	v5 =	vld [tilespmem:$0x3C0];
	_ =	sdelay $0x4  }
0x2ba: {  	v6 =	vshll.u32 v5, $0x1  }
0x2bb: {  	v5 =	vand.u32 $0x7, v5;
	v6 =	vand.u32 $0xFFFFFFF0, v6  }
0x2bc: {  	v5 =	vor.u32 v5, v6  }
0x2bd: {  	v6 =	vperm.xlane v5, v1;
	_ =	sdelay $0x1  }
0x2be: {  	v5 =	vperm.xlane v5, v3;
	v6 =	vadd.s32 v2, v6;
	_ =	sdelay $0x1  }
0x2bf: {  	v5 =	vadd.s32 v2, v5;
	_ =	sdelay $0x1  }
0x2c0: {  	s12 =	simm.s32 $0xC400  }
0x2c1: {  	[tilespmem:s12], [sflag:$0x1] =	stream.indirect_vreg.gather [hbm4b:s2+s19], $0x80, v6, vm0, $0xb8;
	[tilespmem:$0x12400] =	vst v63  }
0x2c2: {  	s23 =	simm.s32 $0xCC00  }
0x2c3: {  	[tilespmem:s23], [sflag:$0x1] =	stream.indirect_vreg.gather [hbm4b:s2+s19], $0x80, v5, vm0, $0xb8;
	[tilespmem:$0x12400] =	vst v63  }
0x2c4: {  	v5 =	vld [tilespmem:$0x3D0];
	_ =	sdelay $0x4  }
0x2c5: {  	v6 =	vshll.u32 v5, $0x1  }
0x2c6: {  	v5 =	vand.u32 $0x7, v5;
	v6 =	vand.u32 $0xFFFFFFF0, v6  }
0x2c7: {  	v5 =	vor.u32 v5, v6  }
0x2c8: {  	v6 =	vperm.xlane v5, v1;
	_ =	sdelay $0x1  }
0x2c9: {  	v5 =	vperm.xlane v5, v3;
	v6 =	vadd.s32 v2, v6;
	_ =	sdelay $0x1  }
0x2ca: {  	v5 =	vadd.s32 v2, v5;
	_ =	sdelay $0x1  }
0x2cb: {  	s15 =	simm.s32 $0xD400  }
0x2cc: {  	[tilespmem:s15], [sflag:$0x1] =	stream.indirect_vreg.gather [hbm4b:s2+s19], $0x80, v6, vm0, $0xb8;
	[tilespmem:$0x12400] =	vst v63  }
0x2cd: {  	s25 =	simm.s32 $0xDC00  }
0x2ce: {  	[tilespmem:s25], [sflag:$0x1] =	stream.indirect_vreg.gather [hbm4b:s2+s19], $0x80, v5, vm0, $0xb8;
	[tilespmem:$0x12400] =	vst v63  }
0x2cf: {  	v5 =	vld [tilespmem:$0x3E0];
	_ =	sdelay $0x4  }
0x2d0: {  	v6 =	vshll.u32 v5, $0x1  }
0x2d1: {  	v5 =	vand.u32 $0x7, v5;
	v6 =	vand.u32 $0xFFFFFFF0, v6  }
0x2d2: {  	v5 =	vor.u32 v5, v6  }
0x2d3: {  	v6 =	vperm.xlane v5, v1;
	_ =	sdelay $0x1  }
0x2d4: {  	v5 =	vperm.xlane v5, v3;
	v6 =	vadd.s32 v2, v6;
	_ =	sdelay $0x1  }
0x2d5: {  	v5 =	vadd.s32 v2, v5;
	_ =	sdelay $0x1  }
0x2d6: {  	s28 =	simm.s32 $0xE400  }
0x2d7: {  	[tilespmem:s28], [sflag:$0x1] =	stream.indirect_vreg.gather [hbm4b:s2+s19], $0x80, v6, vm0, $0xb8;
	[tilespmem:$0x12400] =	vst v63  }
0x2d8: {  	s22 =	simm.s32 $0xEC00  }
0x2d9: {  	[tilespmem:s22], [sflag:$0x1] =	stream.indirect_vreg.gather [hbm4b:s2+s19], $0x80, v5, vm0, $0xb8;
	[tilespmem:$0x12400] =	vst v63  }
0x2da: {  	v5 =	vld [tilespmem:$0x3F0];
	_ =	sdelay $0x4  }
0x2db: {  	v6 =	vshll.u32 v5, $0x1  }
0x2dc: {  	v5 =	vand.u32 $0x7, v5;
	v6 =	vand.u32 $0xFFFFFFF0, v6  }
0x2dd: {  	v5 =	vor.u32 v5, v6  }
0x2de: {  	v6 =	vperm.xlane v5, v1;
	_ =	sdelay $0x1  }
0x2df: {  	v5 =	vperm.xlane v5, v3;
	v6 =	vadd.s32 v2, v6;
	_ =	sdelay $0x1  }
0x2e0: {  	v5 =	vadd.s32 v2, v5;
	_ =	sdelay $0x1  }
0x2e1: {  	s29 =	simm.s32 $0xF400  }
0x2e2: {  	[tilespmem:s29], [sflag:$0x1] =	stream.indirect_vreg.gather [hbm4b:s2+s19], $0x80, v6, vm0, $0xb8;
	[tilespmem:$0x12400] =	vst v63  }
0x2e3: {  	s30 =	simm.s32 $0xFC00  }
0x2e4: {  	[tilespmem:s30], [sflag:$0x1] =	stream.indirect_vreg.gather [hbm4b:s2+s19], $0x80, v5, vm0, $0xb8;
	[tilespmem:$0x12400] =	vst v63  }
0x2e5: {  	_ =	swait.ge [sflag:s16], $0x10000  }
0x2e6: {  	[sflag:s16] =	ssyncset.done $0x0  }
0x2e7: {  	s31 =	rddreg [dreg:$0x8];
	[sflag:s16] =	ssyncadd.s32 $0xFFFF0000  }
0x2e8: {  	[hbm4b:s31+s19] =	stream.linear.scatter [tilespmem:s26], [sflag:$0x2], $0x10000, $0x38;
	[tilespmem:$0x12400] =	vst v63  }
0x2e9: {  	_ =	swait.ge [sflag:s11], $0x10000  }
0x2ea: {  	[sflag:s11] =	ssyncset.done $0x0  }
0x2eb: {  	s20 =	simm.s32 $0x0;
	s19 =	simm.s32 $0x40;
	[sflag:s11] =	ssyncadd.s32 $0xFFFF0000  }
.LBB2_4:
0x2ec: {  	p0 =	sne.s32 s19, $0xFC0;
	v5 =	vld [tilespmem:s20+$0x0];
	_ =	sdelay $0x3  }
.Ltmp1:
0x2ed: {  	(pc) =	sbr.rel @p0 .LBB2_4-.Ltmp1, $2  }
0x2ee: {  	_ =	sdelay $0x2  }
0x2ef: {  	s20 =	sshra.s32 s19, $0x2;
	s19 =	sadd.s32 $0x40, s19;
	[tilespmem:v5+s17+$0x0] =	vst.idx.add.s32.msk $0xffff, v4  }
0x2f0: {  	v5 =	vld [tilespmem:s20+$0x0];
	_ =	sdelay $0x7  }
0x2f1: {  	s19 =	rddreg [dreg:$0x9];
	s0 =	simm.s32 $0x80;
	[tilespmem:v5+s17+$0x0] =	vst.idx.add.s32.msk $0xffff, v4  }
0x2f2: {  	[hbm4b:s19+s0] =	stream.strided.scatter [tilespmem:s17], [sflag:$0x2], $0x2000, s26, s0, $0x38;
	[tilespmem:$0x12400] =	vst v63  }
0x2f3: {  	_ =	swait.ge [sflag:s11], $0x2000  }
0x2f4: {  	s18 =	sadd.s32 $0x1, s18;
	s31 =	rddreg [dreg:$0xa]  }
0x2f5: {  	p0 =	sne.s32 s18, s31  }
.Ltmp2:
0x2f6: {  	_ = 	snop;
	(pc) =	sbr.rel @p0 .LBB2_1-.Ltmp2, $3  }
0x2f7: {  	_ =	sdelay $0x1  }
0x2f8: {  	[sflag:s11] =	ssyncset.done $0x0  }
0x2f9: {  	[sflag:s11] =	ssyncadd.s32 $0xFFFFE000  }
0x2fa: {  	_ =	sfence.sel $0x180000  }
0x2fb: {  	[bflag:$0x0] =	sbarrier.arrive $0xFFFF  }
0x2fc: {  	_ =	strace $0x90000047  }
0x2fd: {  	s0 =	stileid.u32;
	[bflag:$0x2] =	sbarrier.arrive $0xFFFF  }
0x2fe: {  	p0 =	sne.s32 s0, $0x0;
	s0 =	rddreg [dreg:$0x3]  }
0x2ff: {  	s0 =	sadd.s32 @!p0 $0x100000, s0  }
0x300: {  	[sflag:s0] =	ssyncadd.tile.s32 @!p0 $0x1;
	_ =	shalt  }
.Lfunc_end2:
_tile_overlayer_lowered:
.L_overlay_start_2:
0x301: {  	(tag) =	ssettag $0x2  }
0x302: {  	s0 =	rddreg [dreg:$0x0];
	s2 =	stileid.u32  }
0x303: {  	s1 =	rddreg [dreg:$0x1];
	p0 =	sne.s32 s2, $0x0  }
0x304: {  	s3 =	rddreg [dreg:$0x2];
	[bflag:$0x3] =	sbarrier.arrive $0xFFFF;
	s2 =	simm.s32 @!p0 $0x1C02  }
0x305: {  	[timem:s3], [sflag:s2] =	dma.local @!p0 [hbm:s0], s1  }
0x306: {  	s0 =	simm.s32 @!p0 $0x2  }
0x307: {  	_ =	swait.ge @!p0 [sflag:s0], s1  }
0x308: {  	s1 =	ssub.s32 @!p0 $0x0, s1;
	[sflag:s0] =	ssyncset.done @!p0 $0x0  }
0x309: {  	[sflag:s0] =	ssyncadd.s32 @!p0 s1  }
0x30a: {  	[bflag:$0x3] =	sbarrier.arrive $0xFFFF  }
0x30b: {  	_ =	shalt  }

</sc_bundles>
